<compile_context>
chip_gen: v7x
topology: tpu7x:2x2x1
jax: 0.10.2.dev20260603
libtpu: 0.0.44.dev20260713+nightly
codegen_flags: <defaults>
</compile_context>

<pallas_src>
import functools

import jax
import jax.numpy as jnp
from jax import lax
from jax.experimental import pallas as pl
from jax.experimental.pallas import tpu as pltpu
from jax.experimental.pallas import tpu_sc as plsc

_L = 16
_CI = 16
_CO = 8


def _make_sc_permute(R, F):
    info = plsc.get_sparse_core_info()
    NC, NS = info.num_cores, info.num_subcores
    NW = NC * NS
    assert R % (NW * _CI * 2) == 0 and F % _L == 0
    rows_per_w = R // NW
    n_in = rows_per_w // _CI
    mesh = plsc.VectorSubcoreMesh(core_axis_name="c", subcore_axis_name="s")

    @functools.partial(
        pl.kernel,
        mesh=mesh,
        out_type=jax.ShapeDtypeStruct((R, F), jnp.float32),
        scratch_types=[
            pltpu.VMEM((F,), jnp.int32),
            pltpu.VMEM((_CI, F), jnp.float32),
            pltpu.VMEM((_CI, F), jnp.float32),
            pltpu.VMEM((_CO, F), jnp.float32),
            pltpu.VMEM((_CO, F), jnp.float32),
            pltpu.SemaphoreType.DMA,
            pltpu.SemaphoreType.DMA,
            pltpu.SemaphoreType.DMA,
            pltpu.SemaphoreType.DMA,
        ],
        compiler_params=pltpu.CompilerParams(needs_layout_passes=False),
    )
    def run(x_hbm, perm_hbm, out_hbm, perm_v, in0, in1, ob0, ob1,
            isem0, isem1, osem0, osem1):
        wid = lax.axis_index("s") * NC + lax.axis_index("c")
        base = wid * rows_per_w
        pltpu.sync_copy(perm_hbm, perm_v)

        def start_in(c, buf, sem):
            pltpu.async_copy(x_hbm.at[pl.ds(base + c * _CI, _CI)], buf, sem)

        def wait_in(c, buf, sem):
            pltpu.make_async_copy(
                x_hbm.at[pl.ds(base + c * _CI, _CI)], buf, sem).wait()

        def start_out(h, buf, sem):
            pltpu.async_copy(buf, out_hbm.at[pl.ds(base + h * _CO, _CO)], sem)

        def wait_out(h, buf, sem):
            pltpu.make_async_copy(
                buf, out_hbm.at[pl.ds(base + h * _CO, _CO)], sem).wait()

        row_ids = [jnp.full((_L,), r, dtype=jnp.int32) for r in range(_CI)]

        def compute_half(src, r0, dst):
            @plsc.parallel_loop(0, F // _L, unroll=4)
            def col_body(jj):
                off = jj * _L
                pidx = perm_v[pl.ds(off, _L)]
                for r in range(_CO):
                    vals = plsc.load_gather(src, [row_ids[r0 + r], pidx])
                    dst[r, pl.ds(off, _L)] = vals

        K = n_in // 2
        start_in(0, in0, isem0)

        def pair_body(k, carry):
            c0 = 2 * k
            h = 4 * k
            start_in(c0 + 1, in1, isem1)
            wait_in(c0, in0, isem0)

            @pl.when(k > 0)
            def _():
                wait_out(h - 2, ob0, osem0)

            compute_half(in0, 0, ob0)
            start_out(h, ob0, osem0)

            @pl.when(k > 0)
            def _():
                wait_out(h - 1, ob1, osem1)

            compute_half(in0, _CO, ob1)
            start_out(h + 1, ob1, osem1)

            @pl.when(k < K - 1)
            def _():
                start_in(c0 + 2, in0, isem0)

            wait_in(c0 + 1, in1, isem1)
            wait_out(h, ob0, osem0)
            compute_half(in1, 0, ob0)
            start_out(h + 2, ob0, osem0)
            wait_out(h + 1, ob1, osem1)
            compute_half(in1, _CO, ob1)
            start_out(h + 3, ob1, osem1)
            return carry

        lax.fori_loop(0, K, pair_body, 0)
        wait_out(4 * K - 2, ob0, osem0)
        wait_out(4 * K - 1, ob1, osem1)

    return run


def kernel(x, perm):
    B, S, F = x.shape
    R = B * S
    x2d = x.reshape(R, F)
    perm32 = perm.astype(jnp.int32)
    out2d = _make_sc_permute(R, F)(x2d, perm32)
    return out2d.reshape(B, S, F)

# --- scband reference (transcript-rebuilt; emitter-appended) ---
"""Pipeline reference for scband-permutation-36971078484279 (READ-ONLY COPY).

The authoritative reference and input builder live on the scoring server;
editing this copy changes nothing except your own understanding.
"""

import jax, jax.numpy as jnp
import numpy as np


def setup_inputs(seed: int = 0) -> dict:
    key = jax.random.key(seed)
    k1, k2 = jax.random.split(key)
    x = jax.random.normal(k1, (4, 2048, 2048), dtype=jnp.float32)
    # Fixed permutation buffer of the feature (last) dimension.
    perm = jax.random.permutation(k2, 2048).astype(jnp.int64)
    return {"x": x, "perm": perm}


def reference(x, perm):
    # Equivalent of torch: x[..., self.perm]
    return jnp.take(x, perm, axis=-1)

if __name__ == "__main__":
    import jax
    _d = setup_inputs()
    print(jax.jit(kernel)(*tuple(_d.values())))

</pallas_src>

<mosaic_0001>
#map = affine_map<(d0, d1) -> (0, 0)>
#map1 = affine_map<(d0, d1) -> (0)>
module attributes {stable_mosaic.version = 14 : i64} {
  func.func @run(%arg0: i32, %arg1: i32, %arg2: memref<8192x2048xf32, #tpu.memory_space<hbm>>, %arg3: memref<2048xi32, #tpu.memory_space<hbm>>, %arg4: memref<8192x2048xf32, #tpu.memory_space<hbm>>, %arg5: memref<2048xi32, #tpu.memory_space<vmem>>, %arg6: memref<16x2048xf32, #tpu.memory_space<vmem>>, %arg7: memref<16x2048xf32, #tpu.memory_space<vmem>>, %arg8: memref<8x2048xf32, #tpu.memory_space<vmem>>, %arg9: memref<8x2048xf32, #tpu.memory_space<vmem>>, %arg10: memref<!tpu.dma_semaphore, #tpu.memory_space<semaphore_mem>>, %arg11: memref<!tpu.dma_semaphore, #tpu.memory_space<semaphore_mem>>, %arg12: memref<!tpu.dma_semaphore, #tpu.memory_space<semaphore_mem>>, %arg13: memref<!tpu.dma_semaphore, #tpu.memory_space<semaphore_mem>>) attributes {dimension_semantics = [#tpu.dimension_semantics<core_parallel>, #tpu.dimension_semantics<subcore_parallel>], iteration_bounds = array<i64: 2, 16>, scalar_prefetch = 0 : i64, scratch_operands = 9 : i64, tpu.core_type = #tpu.core_type<sc_vector_subcore>, window_params = [{transform_indices = #map}, {transform_indices = #map1}, {transform_indices = #map}]} {
    %mul3A = arith.constant 2 : i32
    %mul3A_0 = arith.muli %arg1, %mul3A : i32
    %add3A = arith.addi %mul3A_0, %arg0 : i32
    %mul3A_1 = arith.constant 256 : i32
    %mul3A_2 = arith.muli %add3A, %mul3A_1 : i32
    "tpu.region"() ({
      %run_scoped3A = tpu.sem_alloc : memref<!tpu.dma_semaphore, #tpu.memory_space<semaphore_mem>>
      tpu.enqueue_dma source(%arg3 : memref<2048xi32, #tpu.memory_space<hbm>>) target(%arg5 : memref<2048xi32, #tpu.memory_space<vmem>>) target_semaphore(%run_scoped3A : memref<!tpu.dma_semaphore, #tpu.memory_space<semaphore_mem>>)
      tpu.wait_dma2 semaphore(%run_scoped3A : memref<!tpu.dma_semaphore, #tpu.memory_space<semaphore_mem>>) src(%arg3 : memref<2048xi32, #tpu.memory_space<hbm>>) dst(%arg5 : memref<2048xi32, #tpu.memory_space<vmem>>)
      tpu.yield
    }) : () -> ()
    %broadcast_in_dim3A = arith.constant 0 : i32
    %broadcast_in_dim3A_3 = vector.broadcast %broadcast_in_dim3A : i32 to vector<16xi32>
    %broadcast_in_dim3A_4 = arith.constant 1 : i32
    %broadcast_in_dim3A_5 = vector.broadcast %broadcast_in_dim3A_4 : i32 to vector<16xi32>
    %broadcast_in_dim3A_6 = arith.constant 2 : i32
    %broadcast_in_dim3A_7 = vector.broadcast %broadcast_in_dim3A_6 : i32 to vector<16xi32>
    %broadcast_in_dim3A_8 = arith.constant 3 : i32
    %broadcast_in_dim3A_9 = vector.broadcast %broadcast_in_dim3A_8 : i32 to vector<16xi32>
    %broadcast_in_dim3A_10 = arith.constant 4 : i32
    %broadcast_in_dim3A_11 = vector.broadcast %broadcast_in_dim3A_10 : i32 to vector<16xi32>
    %broadcast_in_dim3A_12 = arith.constant 5 : i32
    %broadcast_in_dim3A_13 = vector.broadcast %broadcast_in_dim3A_12 : i32 to vector<16xi32>
    %broadcast_in_dim3A_14 = arith.constant 6 : i32
    %broadcast_in_dim3A_15 = vector.broadcast %broadcast_in_dim3A_14 : i32 to vector<16xi32>
    %broadcast_in_dim3A_16 = arith.constant 7 : i32
    %broadcast_in_dim3A_17 = vector.broadcast %broadcast_in_dim3A_16 : i32 to vector<16xi32>
    %broadcast_in_dim3A_18 = arith.constant 8 : i32
    %broadcast_in_dim3A_19 = vector.broadcast %broadcast_in_dim3A_18 : i32 to vector<16xi32>
    %broadcast_in_dim3A_20 = arith.constant 9 : i32
    %broadcast_in_dim3A_21 = vector.broadcast %broadcast_in_dim3A_20 : i32 to vector<16xi32>
    %broadcast_in_dim3A_22 = arith.constant 10 : i32
    %broadcast_in_dim3A_23 = vector.broadcast %broadcast_in_dim3A_22 : i32 to vector<16xi32>
    %broadcast_in_dim3A_24 = arith.constant 11 : i32
    %broadcast_in_dim3A_25 = vector.broadcast %broadcast_in_dim3A_24 : i32 to vector<16xi32>
    %broadcast_in_dim3A_26 = arith.constant 12 : i32
    %broadcast_in_dim3A_27 = vector.broadcast %broadcast_in_dim3A_26 : i32 to vector<16xi32>
    %broadcast_in_dim3A_28 = arith.constant 13 : i32
    %broadcast_in_dim3A_29 = vector.broadcast %broadcast_in_dim3A_28 : i32 to vector<16xi32>
    %broadcast_in_dim3A_30 = arith.constant 14 : i32
    %broadcast_in_dim3A_31 = vector.broadcast %broadcast_in_dim3A_30 : i32 to vector<16xi32>
    %broadcast_in_dim3A_32 = arith.constant 15 : i32
    %broadcast_in_dim3A_33 = vector.broadcast %broadcast_in_dim3A_32 : i32 to vector<16xi32>
    %add3A_34 = arith.constant 0 : i32
    %add3A_35 = arith.addi %mul3A_2, %add3A_34 : i32
    %dma_start3A = arith.constant 0 : i32
    %dma_start3A_36 = tpu.memref_slice %arg2[%add3A_35, %dma_start3A] : memref<8192x2048xf32, #tpu.memory_space<hbm>> -> memref<16x2048xf32, #tpu.memory_space<hbm>>
    %dma_start3A_37 = arith.constant 0 : i32
    %dma_start3A_38 = tpu.memref_slice %arg2[%add3A_35, %dma_start3A_37] : memref<8192x2048xf32, #tpu.memory_space<hbm>> -> memref<16x2048xf32, #tpu.memory_space<hbm>>
    tpu.enqueue_dma source(%dma_start3A_38 : memref<16x2048xf32, #tpu.memory_space<hbm>>) target(%arg6 : memref<16x2048xf32, #tpu.memory_space<vmem>>) target_semaphore(%arg10 : memref<!tpu.dma_semaphore, #tpu.memory_space<semaphore_mem>>)
    %scan3A = arith.constant 0 : i32
    %scan3A_39 = arith.constant 0 : i32
    %scan3A_40 = arith.constant 8 : i32
    %scan3A_41 = arith.addi %scan3A_39, %scan3A_40 : i32
    %scan3A_42 = arith.constant 1 : i32
    scf.for %scan3A_55 = %scan3A_39 to %scan3A_41 step %scan3A_42  : i32 {
      %mul3A_56 = arith.constant 2 : i32
      %mul3A_57 = arith.muli %mul3A_56, %scan3A_55 : i32
      %mul3A_58 = arith.constant 4 : i32
      %mul3A_59 = arith.muli %mul3A_58, %scan3A_55 : i32
      %add3A_60 = arith.constant 1 : i32
      %add3A_61 = arith.addi %mul3A_57, %add3A_60 : i32
      %mul3A_62 = arith.constant 16 : i32
      %mul3A_63 = arith.muli %add3A_61, %mul3A_62 : i32
      %add3A_64 = arith.addi %mul3A_2, %mul3A_63 : i32
      %dma_start3A_65 = arith.constant 0 : i32
      %dma_start3A_66 = tpu.memref_slice %arg2[%add3A_64, %dma_start3A_65] : memref<8192x2048xf32, #tpu.memory_space<hbm>> -> memref<16x2048xf32, #tpu.memory_space<hbm>>
      %dma_start3A_67 = arith.constant 0 : i32
      %dma_start3A_68 = tpu.memref_slice %arg2[%add3A_64, %dma_start3A_67] : memref<8192x2048xf32, #tpu.memory_space<hbm>> -> memref<16x2048xf32, #tpu.memory_space<hbm>>
      tpu.enqueue_dma source(%dma_start3A_68 : memref<16x2048xf32, #tpu.memory_space<hbm>>) target(%arg7 : memref<16x2048xf32, #tpu.memory_space<vmem>>) target_semaphore(%arg11 : memref<!tpu.dma_semaphore, #tpu.memory_space<semaphore_mem>>)
      %mul3A_69 = arith.constant 16 : i32
      %mul3A_70 = arith.muli %mul3A_57, %mul3A_69 : i32
      %add3A_71 = arith.addi %mul3A_2, %mul3A_70 : i32
      %dma_wait3A_72 = arith.constant 0 : i32
      %dma_wait3A_73 = tpu.memref_slice %arg2[%add3A_71, %dma_wait3A_72] : memref<8192x2048xf32, #tpu.memory_space<hbm>> -> memref<16x2048xf32, #tpu.memory_space<hbm>>
      %dma_wait3A_74 = arith.constant 0 : i32
      %dma_wait3A_75 = tpu.memref_slice %arg2[%add3A_71, %dma_wait3A_74] : memref<8192x2048xf32, #tpu.memory_space<hbm>> -> memref<16x2048xf32, #tpu.memory_space<hbm>>
      tpu.wait_dma2 semaphore(%arg10 : memref<!tpu.dma_semaphore, #tpu.memory_space<semaphore_mem>>) src(%dma_wait3A_75 : memref<16x2048xf32, #tpu.memory_space<hbm>>) dst(%arg6 : memref<16x2048xf32, #tpu.memory_space<vmem>>)
      %gt3A = arith.constant 0 : i32
      %gt3A_76 = arith.cmpi sgt, %scan3A_55, %gt3A : i32
      %convert_element_type3A = arith.extui %gt3A_76 : i1 to i32
      %cond3A = arith.constant 0 : i32
      %cond3A_77 = arith.cmpi ne, %convert_element_type3A, %cond3A : i32
      scf.if %cond3A_77 {
        %sub3A = arith.constant 2 : i32
        %sub3A_157 = arith.subi %mul3A_59, %sub3A : i32
        %mul3A_158 = arith.constant 8 : i32
        %mul3A_159 = arith.muli %sub3A_157, %mul3A_158 : i32
        %add3A_160 = arith.addi %mul3A_2, %mul3A_159 : i32
        %dma_wait3A_161 = arith.constant 0 : i32
        %dma_wait3A_162 = tpu.memref_slice %arg4[%add3A_160, %dma_wait3A_161] : memref<8192x2048xf32, #tpu.memory_space<hbm>> -> memref<8x2048xf32, #tpu.memory_space<hbm>>
        %dma_wait3A_163 = arith.constant 0 : i32
        %dma_wait3A_164 = tpu.memref_slice %arg4[%add3A_160, %dma_wait3A_163] : memref<8192x2048xf32, #tpu.memory_space<hbm>> -> memref<8x2048xf32, #tpu.memory_space<hbm>>
        tpu.wait_dma2 semaphore(%arg12 : memref<!tpu.dma_semaphore, #tpu.memory_space<semaphore_mem>>) src(%arg8 : memref<8x2048xf32, #tpu.memory_space<vmem>>) dst(%dma_wait3A_164 : memref<8x2048xf32, #tpu.memory_space<hbm>>)
      } else {
      }
      %parallel_loop3A = arith.constant 0 : i32
      %parallel_loop3A_78 = arith.constant 128 : i32
      %parallel_loop3A_79 = arith.constant 1 : i32
      scf.for %parallel_loop3A_157 = %parallel_loop3A to %parallel_loop3A_78 step %parallel_loop3A_79  : i32 {
        %parallel_loop3A_158 = arith.constant 16 : i32
        %parallel_loop3A_159 = arith.muli %parallel_loop3A_157, %parallel_loop3A_158 : i32
        %parallel_loop3A_160 = arith.index_cast %parallel_loop3A_159 : i32 to index
        %parallel_loop3A_161 = tpu.vector_load %arg5[%parallel_loop3A_160] {strides = array<i32>} : memref<2048xi32, #tpu.memory_space<vmem>>, vector<16xi32>,
        %parallel_loop3A_162 = tpu.vector_load_idx %arg6[%broadcast_in_dim3A_3, %parallel_loop3A_161] : memref<16x2048xf32, #tpu.memory_space<vmem>>[vector<16xi32>, vector<16xi32>], vector<16xf32>,
        %parallel_loop3A_163 = arith.constant 0 : i32
        %parallel_loop3A_164 = arith.index_cast %parallel_loop3A_163 : i32 to index
        %parallel_loop3A_165 = arith.index_cast %parallel_loop3A_159 : i32 to index
        %parallel_loop3A_166 = tpu.vector_load %arg8[%parallel_loop3A_164, %parallel_loop3A_165] {strides = array<i32>} : memref<8x2048xf32, #tpu.memory_space<vmem>>, vector<16xf32>,
        tpu.vector_store %arg8[%parallel_loop3A_164, %parallel_loop3A_165], %parallel_loop3A_162 {strides = array<i32>} : memref<8x2048xf32, #tpu.memory_space<vmem>>, vector<16xf32>,
        %parallel_loop3A_167 = tpu.vector_load_idx %arg6[%broadcast_in_dim3A_5, %parallel_loop3A_161] : memref<16x2048xf32, #tpu.memory_space<vmem>>[vector<16xi32>, vector<16xi32>], vector<16xf32>,
        %parallel_loop3A_168 = arith.constant 1 : i32
        %parallel_loop3A_169 = arith.index_cast %parallel_loop3A_168 : i32 to index
        %parallel_loop3A_170 = arith.index_cast %parallel_loop3A_159 : i32 to index
        %parallel_loop3A_171 = tpu.vector_load %arg8[%parallel_loop3A_169, %parallel_loop3A_170] {strides = array<i32>} : memref<8x2048xf32, #tpu.memory_space<vmem>>, vector<16xf32>,
        tpu.vector_store %arg8[%parallel_loop3A_169, %parallel_loop3A_170], %parallel_loop3A_167 {strides = array<i32>} : memref<8x2048xf32, #tpu.memory_space<vmem>>, vector<16xf32>,
        %parallel_loop3A_172 = tpu.vector_load_idx %arg6[%broadcast_in_dim3A_7, %parallel_loop3A_161] : memref<16x2048xf32, #tpu.memory_space<vmem>>[vector<16xi32>, vector<16xi32>], vector<16xf32>,
        %parallel_loop3A_173 = arith.constant 2 : i32
        %parallel_loop3A_174 = arith.index_cast %parallel_loop3A_173 : i32 to index
        %parallel_loop3A_175 = arith.index_cast %parallel_loop3A_159 : i32 to index
        %parallel_loop3A_176 = tpu.vector_load %arg8[%parallel_loop3A_174, %parallel_loop3A_175] {strides = array<i32>} : memref<8x2048xf32, #tpu.memory_space<vmem>>, vector<16xf32>,
        tpu.vector_store %arg8[%parallel_loop3A_174, %parallel_loop3A_175], %parallel_loop3A_172 {strides = array<i32>} : memref<8x2048xf32, #tpu.memory_space<vmem>>, vector<16xf32>,
        %parallel_loop3A_177 = tpu.vector_load_idx %arg6[%broadcast_in_dim3A_9, %parallel_loop3A_161] : memref<16x2048xf32, #tpu.memory_space<vmem>>[vector<16xi32>, vector<16xi32>], vector<16xf32>,
        %parallel_loop3A_178 = arith.constant 3 : i32
        %parallel_loop3A_179 = arith.index_cast %parallel_loop3A_178 : i32 to index
        %parallel_loop3A_180 = arith.index_cast %parallel_loop3A_159 : i32 to index
        %parallel_loop3A_181 = tpu.vector_load %arg8[%parallel_loop3A_179, %parallel_loop3A_180] {strides = array<i32>} : memref<8x2048xf32, #tpu.memory_space<vmem>>, vector<16xf32>,
        tpu.vector_store %arg8[%parallel_loop3A_179, %parallel_loop3A_180], %parallel_loop3A_177 {strides = array<i32>} : memref<8x2048xf32, #tpu.memory_space<vmem>>, vector<16xf32>,
        %parallel_loop3A_182 = tpu.vector_load_idx %arg6[%broadcast_in_dim3A_11, %parallel_loop3A_161] : memref<16x2048xf32, #tpu.memory_space<vmem>>[vector<16xi32>, vector<16xi32>], vector<16xf32>,
        %parallel_loop3A_183 = arith.constant 4 : i32
        %parallel_loop3A_184 = arith.index_cast %parallel_loop3A_183 : i32 to index
        %parallel_loop3A_185 = arith.index_cast %parallel_loop3A_159 : i32 to index
        %parallel_loop3A_186 = tpu.vector_load %arg8[%parallel_loop3A_184, %parallel_loop3A_185] {strides = array<i32>} : memref<8x2048xf32, #tpu.memory_space<vmem>>, vector<16xf32>,
        tpu.vector_store %arg8[%parallel_loop3A_184, %parallel_loop3A_185], %parallel_loop3A_182 {strides = array<i32>} : memref<8x2048xf32, #tpu.memory_space<vmem>>, vector<16xf32>,
        %parallel_loop3A_187 = tpu.vector_load_idx %arg6[%broadcast_in_dim3A_13, %parallel_loop3A_161] : memref<16x2048xf32, #tpu.memory_space<vmem>>[vector<16xi32>, vector<16xi32>], vector<16xf32>,
        %parallel_loop3A_188 = arith.constant 5 : i32
        %parallel_loop3A_189 = arith.index_cast %parallel_loop3A_188 : i32 to index
        %parallel_loop3A_190 = arith.index_cast %parallel_loop3A_159 : i32 to index
        %parallel_loop3A_191 = tpu.vector_load %arg8[%parallel_loop3A_189, %parallel_loop3A_190] {strides = array<i32>} : memref<8x2048xf32, #tpu.memory_space<vmem>>, vector<16xf32>,
        tpu.vector_store %arg8[%parallel_loop3A_189, %parallel_loop3A_190], %parallel_loop3A_187 {strides = array<i32>} : memref<8x2048xf32, #tpu.memory_space<vmem>>, vector<16xf32>,
        %parallel_loop3A_192 = tpu.vector_load_idx %arg6[%broadcast_in_dim3A_15, %parallel_loop3A_161] : memref<16x2048xf32, #tpu.memory_space<vmem>>[vector<16xi32>, vector<16xi32>], vector<16xf32>,
        %parallel_loop3A_193 = arith.constant 6 : i32
        %parallel_loop3A_194 = arith.index_cast %parallel_loop3A_193 : i32 to index
        %parallel_loop3A_195 = arith.index_cast %parallel_loop3A_159 : i32 to index
        %parallel_loop3A_196 = tpu.vector_load %arg8[%parallel_loop3A_194, %parallel_loop3A_195] {strides = array<i32>} : memref<8x2048xf32, #tpu.memory_space<vmem>>, vector<16xf32>,
        tpu.vector_store %arg8[%parallel_loop3A_194, %parallel_loop3A_195], %parallel_loop3A_192 {strides = array<i32>} : memref<8x2048xf32, #tpu.memory_space<vmem>>, vector<16xf32>,
        %parallel_loop3A_197 = tpu.vector_load_idx %arg6[%broadcast_in_dim3A_17, %parallel_loop3A_161] : memref<16x2048xf32, #tpu.memory_space<vmem>>[vector<16xi32>, vector<16xi32>], vector<16xf32>,
        %parallel_loop3A_198 = arith.constant 7 : i32
        %parallel_loop3A_199 = arith.index_cast %parallel_loop3A_198 : i32 to index
        %parallel_loop3A_200 = arith.index_cast %parallel_loop3A_159 : i32 to index
        %parallel_loop3A_201 = tpu.vector_load %arg8[%parallel_loop3A_199, %parallel_loop3A_200] {strides = array<i32>} : memref<8x2048xf32, #tpu.memory_space<vmem>>, vector<16xf32>,
        tpu.vector_store %arg8[%parallel_loop3A_199, %parallel_loop3A_200], %parallel_loop3A_197 {strides = array<i32>} : memref<8x2048xf32, #tpu.memory_space<vmem>>, vector<16xf32>,
      } {sc.loop_unroll_factor = 4 : i64, sc.parallel_access}
      %mul3A_80 = arith.constant 8 : i32
      %mul3A_81 = arith.muli %mul3A_59, %mul3A_80 : i32
      %add3A_82 = arith.addi %mul3A_2, %mul3A_81 : i32
      %dma_start3A_83 = arith.constant 0 : i32
      %dma_start3A_84 = tpu.memref_slice %arg4[%add3A_82, %dma_start3A_83] : memref<8192x2048xf32, #tpu.memory_space<hbm>> -> memref<8x2048xf32, #tpu.memory_space<hbm>>
      %dma_start3A_85 = arith.constant 0 : i32
      %dma_start3A_86 = tpu.memref_slice %arg4[%add3A_82, %dma_start3A_85] : memref<8192x2048xf32, #tpu.memory_space<hbm>> -> memref<8x2048xf32, #tpu.memory_space<hbm>>
      tpu.enqueue_dma source(%arg8 : memref<8x2048xf32, #tpu.memory_space<vmem>>) target(%dma_start3A_86 : memref<8x2048xf32, #tpu.memory_space<hbm>>) target_semaphore(%arg12 : memref<!tpu.dma_semaphore, #tpu.memory_space<semaphore_mem>>)
      %gt3A_87 = arith.constant 0 : i32
      %gt3A_88 = arith.cmpi sgt, %scan3A_55, %gt3A_87 : i32
      %convert_element_type3A_89 = arith.extui %gt3A_88 : i1 to i32
      %cond3A_90 = arith.constant 0 : i32
      %cond3A_91 = arith.cmpi ne, %convert_element_type3A_89, %cond3A_90 : i32
      scf.if %cond3A_91 {
        %sub3A = arith.constant 1 : i32
        %sub3A_157 = arith.subi %mul3A_59, %sub3A : i32
        %mul3A_158 = arith.constant 8 : i32
        %mul3A_159 = arith.muli %sub3A_157, %mul3A_158 : i32
        %add3A_160 = arith.addi %mul3A_2, %mul3A_159 : i32
        %dma_wait3A_161 = arith.constant 0 : i32
        %dma_wait3A_162 = tpu.memref_slice %arg4[%add3A_160, %dma_wait3A_161] : memref<8192x2048xf32, #tpu.memory_space<hbm>> -> memref<8x2048xf32, #tpu.memory_space<hbm>>
        %dma_wait3A_163 = arith.constant 0 : i32
        %dma_wait3A_164 = tpu.memref_slice %arg4[%add3A_160, %dma_wait3A_163] : memref<8192x2048xf32, #tpu.memory_space<hbm>> -> memref<8x2048xf32, #tpu.memory_space<hbm>>
        tpu.wait_dma2 semaphore(%arg13 : memref<!tpu.dma_semaphore, #tpu.memory_space<semaphore_mem>>) src(%arg9 : memref<8x2048xf32, #tpu.memory_space<vmem>>) dst(%dma_wait3A_164 : memref<8x2048xf32, #tpu.memory_space<hbm>>)
      } else {
      }
      %parallel_loop3A_92 = arith.constant 0 : i32
      %parallel_loop3A_93 = arith.constant 128 : i32
      %parallel_loop3A_94 = arith.constant 1 : i32
      scf.for %parallel_loop3A_157 = %parallel_loop3A_92 to %parallel_loop3A_93 step %parallel_loop3A_94  : i32 {
        %parallel_loop3A_158 = arith.constant 16 : i32
        %parallel_loop3A_159 = arith.muli %parallel_loop3A_157, %parallel_loop3A_158 : i32
        %parallel_loop3A_160 = arith.index_cast %parallel_loop3A_159 : i32 to index
        %parallel_loop3A_161 = tpu.vector_load %arg5[%parallel_loop3A_160] {strides = array<i32>} : memref<2048xi32, #tpu.memory_space<vmem>>, vector<16xi32>,
        %parallel_loop3A_162 = tpu.vector_load_idx %arg6[%broadcast_in_dim3A_19, %parallel_loop3A_161] : memref<16x2048xf32, #tpu.memory_space<vmem>>[vector<16xi32>, vector<16xi32>], vector<16xf32>,
        %parallel_loop3A_163 = arith.constant 0 : i32
        %parallel_loop3A_164 = arith.index_cast %parallel_loop3A_163 : i32 to index
        %parallel_loop3A_165 = arith.index_cast %parallel_loop3A_159 : i32 to index
        %parallel_loop3A_166 = tpu.vector_load %arg9[%parallel_loop3A_164, %parallel_loop3A_165] {strides = array<i32>} : memref<8x2048xf32, #tpu.memory_space<vmem>>, vector<16xf32>,
        tpu.vector_store %arg9[%parallel_loop3A_164, %parallel_loop3A_165], %parallel_loop3A_162 {strides = array<i32>} : memref<8x2048xf32, #tpu.memory_space<vmem>>, vector<16xf32>,
        %parallel_loop3A_167 = tpu.vector_load_idx %arg6[%broadcast_in_dim3A_21, %parallel_loop3A_161] : memref<16x2048xf32, #tpu.memory_space<vmem>>[vector<16xi32>, vector<16xi32>], vector<16xf32>,
        %parallel_loop3A_168 = arith.constant 1 : i32
        %parallel_loop3A_169 = arith.index_cast %parallel_loop3A_168 : i32 to index
        %parallel_loop3A_170 = arith.index_cast %parallel_loop3A_159 : i32 to index
        %parallel_loop3A_171 = tpu.vector_load %arg9[%parallel_loop3A_169, %parallel_loop3A_170] {strides = array<i32>} : memref<8x2048xf32, #tpu.memory_space<vmem>>, vector<16xf32>,
        tpu.vector_store %arg9[%parallel_loop3A_169, %parallel_loop3A_170], %parallel_loop3A_167 {strides = array<i32>} : memref<8x2048xf32, #tpu.memory_space<vmem>>, vector<16xf32>,
        %parallel_loop3A_172 = tpu.vector_load_idx %arg6[%broadcast_in_dim3A_23, %parallel_loop3A_161] : memref<16x2048xf32, #tpu.memory_space<vmem>>[vector<16xi32>, vector<16xi32>], vector<16xf32>,
        %parallel_loop3A_173 = arith.constant 2 : i32
        %parallel_loop3A_174 = arith.index_cast %parallel_loop3A_173 : i32 to index
        %parallel_loop3A_175 = arith.index_cast %parallel_loop3A_159 : i32 to index
        %parallel_loop3A_176 = tpu.vector_load %arg9[%parallel_loop3A_174, %parallel_loop3A_175] {strides = array<i32>} : memref<8x2048xf32, #tpu.memory_space<vmem>>, vector<16xf32>,
        tpu.vector_store %arg9[%parallel_loop3A_174, %parallel_loop3A_175], %parallel_loop3A_172 {strides = array<i32>} : memref<8x2048xf32, #tpu.memory_space<vmem>>, vector<16xf32>,
        %parallel_loop3A_177 = tpu.vector_load_idx %arg6[%broadcast_in_dim3A_25, %parallel_loop3A_161] : memref<16x2048xf32, #tpu.memory_space<vmem>>[vector<16xi32>, vector<16xi32>], vector<16xf32>,
        %parallel_loop3A_178 = arith.constant 3 : i32
        %parallel_loop3A_179 = arith.index_cast %parallel_loop3A_178 : i32 to index
        %parallel_loop3A_180 = arith.index_cast %parallel_loop3A_159 : i32 to index
        %parallel_loop3A_181 = tpu.vector_load %arg9[%parallel_loop3A_179, %parallel_loop3A_180] {strides = array<i32>} : memref<8x2048xf32, #tpu.memory_space<vmem>>, vector<16xf32>,
        tpu.vector_store %arg9[%parallel_loop3A_179, %parallel_loop3A_180], %parallel_loop3A_177 {strides = array<i32>} : memref<8x2048xf32, #tpu.memory_space<vmem>>, vector<16xf32>,
        %parallel_loop3A_182 = tpu.vector_load_idx %arg6[%broadcast_in_dim3A_27, %parallel_loop3A_161] : memref<16x2048xf32, #tpu.memory_space<vmem>>[vector<16xi32>, vector<16xi32>], vector<16xf32>,
        %parallel_loop3A_183 = arith.constant 4 : i32
        %parallel_loop3A_184 = arith.index_cast %parallel_loop3A_183 : i32 to index
        %parallel_loop3A_185 = arith.index_cast %parallel_loop3A_159 : i32 to index
        %parallel_loop3A_186 = tpu.vector_load %arg9[%parallel_loop3A_184, %parallel_loop3A_185] {strides = array<i32>} : memref<8x2048xf32, #tpu.memory_space<vmem>>, vector<16xf32>,
        tpu.vector_store %arg9[%parallel_loop3A_184, %parallel_loop3A_185], %parallel_loop3A_182 {strides = array<i32>} : memref<8x2048xf32, #tpu.memory_space<vmem>>, vector<16xf32>,
        %parallel_loop3A_187 = tpu.vector_load_idx %arg6[%broadcast_in_dim3A_29, %parallel_loop3A_161] : memref<16x2048xf32, #tpu.memory_space<vmem>>[vector<16xi32>, vector<16xi32>], vector<16xf32>,
        %parallel_loop3A_188 = arith.constant 5 : i32
        %parallel_loop3A_189 = arith.index_cast %parallel_loop3A_188 : i32 to index
        %parallel_loop3A_190 = arith.index_cast %parallel_loop3A_159 : i32 to index
        %parallel_loop3A_191 = tpu.vector_load %arg9[%parallel_loop3A_189, %parallel_loop3A_190] {strides = array<i32>} : memref<8x2048xf32, #tpu.memory_space<vmem>>, vector<16xf32>,
        tpu.vector_store %arg9[%parallel_loop3A_189, %parallel_loop3A_190], %parallel_loop3A_187 {strides = array<i32>} : memref<8x2048xf32, #tpu.memory_space<vmem>>, vector<16xf32>,
        %parallel_loop3A_192 = tpu.vector_load_idx %arg6[%broadcast_in_dim3A_31, %parallel_loop3A_161] : memref<16x2048xf32, #tpu.memory_space<vmem>>[vector<16xi32>, vector<16xi32>], vector<16xf32>,
        %parallel_loop3A_193 = arith.constant 6 : i32
        %parallel_loop3A_194 = arith.index_cast %parallel_loop3A_193 : i32 to index
        %parallel_loop3A_195 = arith.index_cast %parallel_loop3A_159 : i32 to index
        %parallel_loop3A_196 = tpu.vector_load %arg9[%parallel_loop3A_194, %parallel_loop3A_195] {strides = array<i32>} : memref<8x2048xf32, #tpu.memory_space<vmem>>, vector<16xf32>,
        tpu.vector_store %arg9[%parallel_loop3A_194, %parallel_loop3A_195], %parallel_loop3A_192 {strides = array<i32>} : memref<8x2048xf32, #tpu.memory_space<vmem>>, vector<16xf32>,
        %parallel_loop3A_197 = tpu.vector_load_idx %arg6[%broadcast_in_dim3A_33, %parallel_loop3A_161] : memref<16x2048xf32, #tpu.memory_space<vmem>>[vector<16xi32>, vector<16xi32>], vector<16xf32>,
        %parallel_loop3A_198 = arith.constant 7 : i32
        %parallel_loop3A_199 = arith.index_cast %parallel_loop3A_198 : i32 to index
        %parallel_loop3A_200 = arith.index_cast %parallel_loop3A_159 : i32 to index
        %parallel_loop3A_201 = tpu.vector_load %arg9[%parallel_loop3A_199, %parallel_loop3A_200] {strides = array<i32>} : memref<8x2048xf32, #tpu.memory_space<vmem>>, vector<16xf32>,
        tpu.vector_store %arg9[%parallel_loop3A_199, %parallel_loop3A_200], %parallel_loop3A_197 {strides = array<i32>} : memref<8x2048xf32, #tpu.memory_space<vmem>>, vector<16xf32>,
      } {sc.loop_unroll_factor = 4 : i64, sc.parallel_access}
      %add3A_95 = arith.constant 1 : i32
      %add3A_96 = arith.addi %mul3A_59, %add3A_95 : i32
      %mul3A_97 = arith.constant 8 : i32
      %mul3A_98 = arith.muli %add3A_96, %mul3A_97 : i32
      %add3A_99 = arith.addi %mul3A_2, %mul3A_98 : i32
      %dma_start3A_100 = arith.constant 0 : i32
      %dma_start3A_101 = tpu.memref_slice %arg4[%add3A_99, %dma_start3A_100] : memref<8192x2048xf32, #tpu.memory_space<hbm>> -> memref<8x2048xf32, #tpu.memory_space<hbm>>
      %dma_start3A_102 = arith.constant 0 : i32
      %dma_start3A_103 = tpu.memref_slice %arg4[%add3A_99, %dma_start3A_102] : memref<8192x2048xf32, #tpu.memory_space<hbm>> -> memref<8x2048xf32, #tpu.memory_space<hbm>>
      tpu.enqueue_dma source(%arg9 : memref<8x2048xf32, #tpu.memory_space<vmem>>) target(%dma_start3A_103 : memref<8x2048xf32, #tpu.memory_space<hbm>>) target_semaphore(%arg13 : memref<!tpu.dma_semaphore, #tpu.memory_space<semaphore_mem>>)
      %lt3A = arith.constant 7 : i32
      %lt3A_104 = arith.cmpi slt, %scan3A_55, %lt3A : i32
      %convert_element_type3A_105 = arith.extui %lt3A_104 : i1 to i32
      %cond3A_106 = arith.constant 0 : i32
      %cond3A_107 = arith.cmpi ne, %convert_element_type3A_105, %cond3A_106 : i32
      scf.if %cond3A_107 {
        %add3A_157 = arith.constant 2 : i32
        %add3A_158 = arith.addi %mul3A_57, %add3A_157 : i32
        %mul3A_159 = arith.constant 16 : i32
        %mul3A_160 = arith.muli %add3A_158, %mul3A_159 : i32
        %add3A_161 = arith.addi %mul3A_2, %mul3A_160 : i32
        %dma_start3A_162 = arith.constant 0 : i32
        %dma_start3A_163 = tpu.memref_slice %arg2[%add3A_161, %dma_start3A_162] : memref<8192x2048xf32, #tpu.memory_space<hbm>> -> memref<16x2048xf32, #tpu.memory_space<hbm>>
        %dma_start3A_164 = arith.constant 0 : i32
        %dma_start3A_165 = tpu.memref_slice %arg2[%add3A_161, %dma_start3A_164] : memref<8192x2048xf32, #tpu.memory_space<hbm>> -> memref<16x2048xf32, #tpu.memory_space<hbm>>
        tpu.enqueue_dma source(%dma_start3A_165 : memref<16x2048xf32, #tpu.memory_space<hbm>>) target(%arg6 : memref<16x2048xf32, #tpu.memory_space<vmem>>) target_semaphore(%arg10 : memref<!tpu.dma_semaphore, #tpu.memory_space<semaphore_mem>>)
      } else {
      }
      %add3A_108 = arith.constant 1 : i32
      %add3A_109 = arith.addi %mul3A_57, %add3A_108 : i32
      %mul3A_110 = arith.constant 16 : i32
      %mul3A_111 = arith.muli %add3A_109, %mul3A_110 : i32
      %add3A_112 = arith.addi %mul3A_2, %mul3A_111 : i32
      %dma_wait3A_113 = arith.constant 0 : i32
      %dma_wait3A_114 = tpu.memref_slice %arg2[%add3A_112, %dma_wait3A_113] : memref<8192x2048xf32, #tpu.memory_space<hbm>> -> memref<16x2048xf32, #tpu.memory_space<hbm>>
      %dma_wait3A_115 = arith.constant 0 : i32
      %dma_wait3A_116 = tpu.memref_slice %arg2[%add3A_112, %dma_wait3A_115] : memref<8192x2048xf32, #tpu.memory_space<hbm>> -> memref<16x2048xf32, #tpu.memory_space<hbm>>
      tpu.wait_dma2 semaphore(%arg11 : memref<!tpu.dma_semaphore, #tpu.memory_space<semaphore_mem>>) src(%dma_wait3A_116 : memref<16x2048xf32, #tpu.memory_space<hbm>>) dst(%arg7 : memref<16x2048xf32, #tpu.memory_space<vmem>>)
      %mul3A_117 = arith.constant 8 : i32
      %mul3A_118 = arith.muli %mul3A_59, %mul3A_117 : i32
      %add3A_119 = arith.addi %mul3A_2, %mul3A_118 : i32
      %dma_wait3A_120 = arith.constant 0 : i32
      %dma_wait3A_121 = tpu.memref_slice %arg4[%add3A_119, %dma_wait3A_120] : memref<8192x2048xf32, #tpu.memory_space<hbm>> -> memref<8x2048xf32, #tpu.memory_space<hbm>>
      %dma_wait3A_122 = arith.constant 0 : i32
      %dma_wait3A_123 = tpu.memref_slice %arg4[%add3A_119, %dma_wait3A_122] : memref<8192x2048xf32, #tpu.memory_space<hbm>> -> memref<8x2048xf32, #tpu.memory_space<hbm>>
      tpu.wait_dma2 semaphore(%arg12 : memref<!tpu.dma_semaphore, #tpu.memory_space<semaphore_mem>>) src(%arg8 : memref<8x2048xf32, #tpu.memory_space<vmem>>) dst(%dma_wait3A_123 : memref<8x2048xf32, #tpu.memory_space<hbm>>)
      %parallel_loop3A_124 = arith.constant 0 : i32
      %parallel_loop3A_125 = arith.constant 128 : i32
      %parallel_loop3A_126 = arith.constant 1 : i32
      scf.for %parallel_loop3A_157 = %parallel_loop3A_124 to %parallel_loop3A_125 step %parallel_loop3A_126  : i32 {
        %parallel_loop3A_158 = arith.constant 16 : i32
        %parallel_loop3A_159 = arith.muli %parallel_loop3A_157, %parallel_loop3A_158 : i32
        %parallel_loop3A_160 = arith.index_cast %parallel_loop3A_159 : i32 to index
        %parallel_loop3A_161 = tpu.vector_load %arg5[%parallel_loop3A_160] {strides = array<i32>} : memref<2048xi32, #tpu.memory_space<vmem>>, vector<16xi32>,
        %parallel_loop3A_162 = tpu.vector_load_idx %arg7[%broadcast_in_dim3A_3, %parallel_loop3A_161] : memref<16x2048xf32, #tpu.memory_space<vmem>>[vector<16xi32>, vector<16xi32>], vector<16xf32>,
        %parallel_loop3A_163 = arith.constant 0 : i32
        %parallel_loop3A_164 = arith.index_cast %parallel_loop3A_163 : i32 to index
        %parallel_loop3A_165 = arith.index_cast %parallel_loop3A_159 : i32 to index
        %parallel_loop3A_166 = tpu.vector_load %arg8[%parallel_loop3A_164, %parallel_loop3A_165] {strides = array<i32>} : memref<8x2048xf32, #tpu.memory_space<vmem>>, vector<16xf32>,
        tpu.vector_store %arg8[%parallel_loop3A_164, %parallel_loop3A_165], %parallel_loop3A_162 {strides = array<i32>} : memref<8x2048xf32, #tpu.memory_space<vmem>>, vector<16xf32>,
        %parallel_loop3A_167 = tpu.vector_load_idx %arg7[%broadcast_in_dim3A_5, %parallel_loop3A_161] : memref<16x2048xf32, #tpu.memory_space<vmem>>[vector<16xi32>, vector<16xi32>], vector<16xf32>,
        %parallel_loop3A_168 = arith.constant 1 : i32
        %parallel_loop3A_169 = arith.index_cast %parallel_loop3A_168 : i32 to index
        %parallel_loop3A_170 = arith.index_cast %parallel_loop3A_159 : i32 to index
        %parallel_loop3A_171 = tpu.vector_load %arg8[%parallel_loop3A_169, %parallel_loop3A_170] {strides = array<i32>} : memref<8x2048xf32, #tpu.memory_space<vmem>>, vector<16xf32>,
        tpu.vector_store %arg8[%parallel_loop3A_169, %parallel_loop3A_170], %parallel_loop3A_167 {strides = array<i32>} : memref<8x2048xf32, #tpu.memory_space<vmem>>, vector<16xf32>,
        %parallel_loop3A_172 = tpu.vector_load_idx %arg7[%broadcast_in_dim3A_7, %parallel_loop3A_161] : memref<16x2048xf32, #tpu.memory_space<vmem>>[vector<16xi32>, vector<16xi32>], vector<16xf32>,
        %parallel_loop3A_173 = arith.constant 2 : i32
        %parallel_loop3A_174 = arith.index_cast %parallel_loop3A_173 : i32 to index
        %parallel_loop3A_175 = arith.index_cast %parallel_loop3A_159 : i32 to index
        %parallel_loop3A_176 = tpu.vector_load %arg8[%parallel_loop3A_174, %parallel_loop3A_175] {strides = array<i32>} : memref<8x2048xf32, #tpu.memory_space<vmem>>, vector<16xf32>,
        tpu.vector_store %arg8[%parallel_loop3A_174, %parallel_loop3A_175], %parallel_loop3A_172 {strides = array<i32>} : memref<8x2048xf32, #tpu.memory_space<vmem>>, vector<16xf32>,
        %parallel_loop3A_177 = tpu.vector_load_idx %arg7[%broadcast_in_dim3A_9, %parallel_loop3A_161] : memref<16x2048xf32, #tpu.memory_space<vmem>>[vector<16xi32>, vector<16xi32>], vector<16xf32>,
        %parallel_loop3A_178 = arith.constant 3 : i32
        %parallel_loop3A_179 = arith.index_cast %parallel_loop3A_178 : i32 to index
        %parallel_loop3A_180 = arith.index_cast %parallel_loop3A_159 : i32 to index
        %parallel_loop3A_181 = tpu.vector_load %arg8[%parallel_loop3A_179, %parallel_loop3A_180] {strides = array<i32>} : memref<8x2048xf32, #tpu.memory_space<vmem>>, vector<16xf32>,
        tpu.vector_store %arg8[%parallel_loop3A_179, %parallel_loop3A_180], %parallel_loop3A_177 {strides = array<i32>} : memref<8x2048xf32, #tpu.memory_space<vmem>>, vector<16xf32>,
        %parallel_loop3A_182 = tpu.vector_load_idx %arg7[%broadcast_in_dim3A_11, %parallel_loop3A_161] : memref<16x2048xf32, #tpu.memory_space<vmem>>[vector<16xi32>, vector<16xi32>], vector<16xf32>,
        %parallel_loop3A_183 = arith.constant 4 : i32
        %parallel_loop3A_184 = arith.index_cast %parallel_loop3A_183 : i32 to index
        %parallel_loop3A_185 = arith.index_cast %parallel_loop3A_159 : i32 to index
        %parallel_loop3A_186 = tpu.vector_load %arg8[%parallel_loop3A_184, %parallel_loop3A_185] {strides = array<i32>} : memref<8x2048xf32, #tpu.memory_space<vmem>>, vector<16xf32>,
        tpu.vector_store %arg8[%parallel_loop3A_184, %parallel_loop3A_185], %parallel_loop3A_182 {strides = array<i32>} : memref<8x2048xf32, #tpu.memory_space<vmem>>, vector<16xf32>,
        %parallel_loop3A_187 = tpu.vector_load_idx %arg7[%broadcast_in_dim3A_13, %parallel_loop3A_161] : memref<16x2048xf32, #tpu.memory_space<vmem>>[vector<16xi32>, vector<16xi32>], vector<16xf32>,
        %parallel_loop3A_188 = arith.constant 5 : i32
        %parallel_loop3A_189 = arith.index_cast %parallel_loop3A_188 : i32 to index
        %parallel_loop3A_190 = arith.index_cast %parallel_loop3A_159 : i32 to index
        %parallel_loop3A_191 = tpu.vector_load %arg8[%parallel_loop3A_189, %parallel_loop3A_190] {strides = array<i32>} : memref<8x2048xf32, #tpu.memory_space<vmem>>, vector<16xf32>,
        tpu.vector_store %arg8[%parallel_loop3A_189, %parallel_loop3A_190], %parallel_loop3A_187 {strides = array<i32>} : memref<8x2048xf32, #tpu.memory_space<vmem>>, vector<16xf32>,
        %parallel_loop3A_192 = tpu.vector_load_idx %arg7[%broadcast_in_dim3A_15, %parallel_loop3A_161] : memref<16x2048xf32, #tpu.memory_space<vmem>>[vector<16xi32>, vector<16xi32>], vector<16xf32>,
        %parallel_loop3A_193 = arith.constant 6 : i32
        %parallel_loop3A_194 = arith.index_cast %parallel_loop3A_193 : i32 to index
        %parallel_loop3A_195 = arith.index_cast %parallel_loop3A_159 : i32 to index
        %parallel_loop3A_196 = tpu.vector_load %arg8[%parallel_loop3A_194, %parallel_loop3A_195] {strides = array<i32>} : memref<8x2048xf32, #tpu.memory_space<vmem>>, vector<16xf32>,
        tpu.vector_store %arg8[%parallel_loop3A_194, %parallel_loop3A_195], %parallel_loop3A_192 {strides = array<i32>} : memref<8x2048xf32, #tpu.memory_space<vmem>>, vector<16xf32>,
        %parallel_loop3A_197 = tpu.vector_load_idx %arg7[%broadcast_in_dim3A_17, %parallel_loop3A_161] : memref<16x2048xf32, #tpu.memory_space<vmem>>[vector<16xi32>, vector<16xi32>], vector<16xf32>,
        %parallel_loop3A_198 = arith.constant 7 : i32
        %parallel_loop3A_199 = arith.index_cast %parallel_loop3A_198 : i32 to index
        %parallel_loop3A_200 = arith.index_cast %parallel_loop3A_159 : i32 to index
        %parallel_loop3A_201 = tpu.vector_load %arg8[%parallel_loop3A_199, %parallel_loop3A_200] {strides = array<i32>} : memref<8x2048xf32, #tpu.memory_space<vmem>>, vector<16xf32>,
        tpu.vector_store %arg8[%parallel_loop3A_199, %parallel_loop3A_200], %parallel_loop3A_197 {strides = array<i32>} : memref<8x2048xf32, #tpu.memory_space<vmem>>, vector<16xf32>,
      } {sc.loop_unroll_factor = 4 : i64, sc.parallel_access}
      %add3A_127 = arith.constant 2 : i32
      %add3A_128 = arith.addi %mul3A_59, %add3A_127 : i32
      %mul3A_129 = arith.constant 8 : i32
      %mul3A_130 = arith.muli %add3A_128, %mul3A_129 : i32
      %add3A_131 = arith.addi %mul3A_2, %mul3A_130 : i32
      %dma_start3A_132 = arith.constant 0 : i32
      %dma_start3A_133 = tpu.memref_slice %arg4[%add3A_131, %dma_start3A_132] : memref<8192x2048xf32, #tpu.memory_space<hbm>> -> memref<8x2048xf32, #tpu.memory_space<hbm>>
      %dma_start3A_134 = arith.constant 0 : i32
      %dma_start3A_135 = tpu.memref_slice %arg4[%add3A_131, %dma_start3A_134] : memref<8192x2048xf32, #tpu.memory_space<hbm>> -> memref<8x2048xf32, #tpu.memory_space<hbm>>
      tpu.enqueue_dma source(%arg8 : memref<8x2048xf32, #tpu.memory_space<vmem>>) target(%dma_start3A_135 : memref<8x2048xf32, #tpu.memory_space<hbm>>) target_semaphore(%arg12 : memref<!tpu.dma_semaphore, #tpu.memory_space<semaphore_mem>>)
      %add3A_136 = arith.constant 1 : i32
      %add3A_137 = arith.addi %mul3A_59, %add3A_136 : i32
      %mul3A_138 = arith.constant 8 : i32
      %mul3A_139 = arith.muli %add3A_137, %mul3A_138 : i32
      %add3A_140 = arith.addi %mul3A_2, %mul3A_139 : i32
      %dma_wait3A_141 = arith.constant 0 : i32
      %dma_wait3A_142 = tpu.memref_slice %arg4[%add3A_140, %dma_wait3A_141] : memref<8192x2048xf32, #tpu.memory_space<hbm>> -> memref<8x2048xf32, #tpu.memory_space<hbm>>
      %dma_wait3A_143 = arith.constant 0 : i32
      %dma_wait3A_144 = tpu.memref_slice %arg4[%add3A_140, %dma_wait3A_143] : memref<8192x2048xf32, #tpu.memory_space<hbm>> -> memref<8x2048xf32, #tpu.memory_space<hbm>>
      tpu.wait_dma2 semaphore(%arg13 : memref<!tpu.dma_semaphore, #tpu.memory_space<semaphore_mem>>) src(%arg9 : memref<8x2048xf32, #tpu.memory_space<vmem>>) dst(%dma_wait3A_144 : memref<8x2048xf32, #tpu.memory_space<hbm>>)
      %parallel_loop3A_145 = arith.constant 0 : i32
      %parallel_loop3A_146 = arith.constant 128 : i32
      %parallel_loop3A_147 = arith.constant 1 : i32
      scf.for %parallel_loop3A_157 = %parallel_loop3A_145 to %parallel_loop3A_146 step %parallel_loop3A_147  : i32 {
        %parallel_loop3A_158 = arith.constant 16 : i32
        %parallel_loop3A_159 = arith.muli %parallel_loop3A_157, %parallel_loop3A_158 : i32
        %parallel_loop3A_160 = arith.index_cast %parallel_loop3A_159 : i32 to index
        %parallel_loop3A_161 = tpu.vector_load %arg5[%parallel_loop3A_160] {strides = array<i32>} : memref<2048xi32, #tpu.memory_space<vmem>>, vector<16xi32>,
        %parallel_loop3A_162 = tpu.vector_load_idx %arg7[%broadcast_in_dim3A_19, %parallel_loop3A_161] : memref<16x2048xf32, #tpu.memory_space<vmem>>[vector<16xi32>, vector<16xi32>], vector<16xf32>,
        %parallel_loop3A_163 = arith.constant 0 : i32
        %parallel_loop3A_164 = arith.index_cast %parallel_loop3A_163 : i32 to index
        %parallel_loop3A_165 = arith.index_cast %parallel_loop3A_159 : i32 to index
        %parallel_loop3A_166 = tpu.vector_load %arg9[%parallel_loop3A_164, %parallel_loop3A_165] {strides = array<i32>} : memref<8x2048xf32, #tpu.memory_space<vmem>>, vector<16xf32>,
        tpu.vector_store %arg9[%parallel_loop3A_164, %parallel_loop3A_165], %parallel_loop3A_162 {strides = array<i32>} : memref<8x2048xf32, #tpu.memory_space<vmem>>, vector<16xf32>,
        %parallel_loop3A_167 = tpu.vector_load_idx %arg7[%broadcast_in_dim3A_21, %parallel_loop3A_161] : memref<16x2048xf32, #tpu.memory_space<vmem>>[vector<16xi32>, vector<16xi32>], vector<16xf32>,
        %parallel_loop3A_168 = arith.constant 1 : i32
        %parallel_loop3A_169 = arith.index_cast %parallel_loop3A_168 : i32 to index
        %parallel_loop3A_170 = arith.index_cast %parallel_loop3A_159 : i32 to index
        %parallel_loop3A_171 = tpu.vector_load %arg9[%parallel_loop3A_169, %parallel_loop3A_170] {strides = array<i32>} : memref<8x2048xf32, #tpu.memory_space<vmem>>, vector<16xf32>,
        tpu.vector_store %arg9[%parallel_loop3A_169, %parallel_loop3A_170], %parallel_loop3A_167 {strides = array<i32>} : memref<8x2048xf32, #tpu.memory_space<vmem>>, vector<16xf32>,
        %parallel_loop3A_172 = tpu.vector_load_idx %arg7[%broadcast_in_dim3A_23, %parallel_loop3A_161] : memref<16x2048xf32, #tpu.memory_space<vmem>>[vector<16xi32>, vector<16xi32>], vector<16xf32>,
        %parallel_loop3A_173 = arith.constant 2 : i32
        %parallel_loop3A_174 = arith.index_cast %parallel_loop3A_173 : i32 to index
        %parallel_loop3A_175 = arith.index_cast %parallel_loop3A_159 : i32 to index
        %parallel_loop3A_176 = tpu.vector_load %arg9[%parallel_loop3A_174, %parallel_loop3A_175] {strides = array<i32>} : memref<8x2048xf32, #tpu.memory_space<vmem>>, vector<16xf32>,
        tpu.vector_store %arg9[%parallel_loop3A_174, %parallel_loop3A_175], %parallel_loop3A_172 {strides = array<i32>} : memref<8x2048xf32, #tpu.memory_space<vmem>>, vector<16xf32>,
        %parallel_loop3A_177 = tpu.vector_load_idx %arg7[%broadcast_in_dim3A_25, %parallel_loop3A_161] : memref<16x2048xf32, #tpu.memory_space<vmem>>[vector<16xi32>, vector<16xi32>], vector<16xf32>,
        %parallel_loop3A_178 = arith.constant 3 : i32
        %parallel_loop3A_179 = arith.index_cast %parallel_loop3A_178 : i32 to index
        %parallel_loop3A_180 = arith.index_cast %parallel_loop3A_159 : i32 to index
        %parallel_loop3A_181 = tpu.vector_load %arg9[%parallel_loop3A_179, %parallel_loop3A_180] {strides = array<i32>} : memref<8x2048xf32, #tpu.memory_space<vmem>>, vector<16xf32>,
        tpu.vector_store %arg9[%parallel_loop3A_179, %parallel_loop3A_180], %parallel_loop3A_177 {strides = array<i32>} : memref<8x2048xf32, #tpu.memory_space<vmem>>, vector<16xf32>,
        %parallel_loop3A_182 = tpu.vector_load_idx %arg7[%broadcast_in_dim3A_27, %parallel_loop3A_161] : memref<16x2048xf32, #tpu.memory_space<vmem>>[vector<16xi32>, vector<16xi32>], vector<16xf32>,
        %parallel_loop3A_183 = arith.constant 4 : i32
        %parallel_loop3A_184 = arith.index_cast %parallel_loop3A_183 : i32 to index
        %parallel_loop3A_185 = arith.index_cast %parallel_loop3A_159 : i32 to index
        %parallel_loop3A_186 = tpu.vector_load %arg9[%parallel_loop3A_184, %parallel_loop3A_185] {strides = array<i32>} : memref<8x2048xf32, #tpu.memory_space<vmem>>, vector<16xf32>,
        tpu.vector_store %arg9[%parallel_loop3A_184, %parallel_loop3A_185], %parallel_loop3A_182 {strides = array<i32>} : memref<8x2048xf32, #tpu.memory_space<vmem>>, vector<16xf32>,
        %parallel_loop3A_187 = tpu.vector_load_idx %arg7[%broadcast_in_dim3A_29, %parallel_loop3A_161] : memref<16x2048xf32, #tpu.memory_space<vmem>>[vector<16xi32>, vector<16xi32>], vector<16xf32>,
        %parallel_loop3A_188 = arith.constant 5 : i32
        %parallel_loop3A_189 = arith.index_cast %parallel_loop3A_188 : i32 to index
        %parallel_loop3A_190 = arith.index_cast %parallel_loop3A_159 : i32 to index
        %parallel_loop3A_191 = tpu.vector_load %arg9[%parallel_loop3A_189, %parallel_loop3A_190] {strides = array<i32>} : memref<8x2048xf32, #tpu.memory_space<vmem>>, vector<16xf32>,
        tpu.vector_store %arg9[%parallel_loop3A_189, %parallel_loop3A_190], %parallel_loop3A_187 {strides = array<i32>} : memref<8x2048xf32, #tpu.memory_space<vmem>>, vector<16xf32>,
        %parallel_loop3A_192 = tpu.vector_load_idx %arg7[%broadcast_in_dim3A_31, %parallel_loop3A_161] : memref<16x2048xf32, #tpu.memory_space<vmem>>[vector<16xi32>, vector<16xi32>], vector<16xf32>,
        %parallel_loop3A_193 = arith.constant 6 : i32
        %parallel_loop3A_194 = arith.index_cast %parallel_loop3A_193 : i32 to index
        %parallel_loop3A_195 = arith.index_cast %parallel_loop3A_159 : i32 to index
        %parallel_loop3A_196 = tpu.vector_load %arg9[%parallel_loop3A_194, %parallel_loop3A_195] {strides = array<i32>} : memref<8x2048xf32, #tpu.memory_space<vmem>>, vector<16xf32>,
        tpu.vector_store %arg9[%parallel_loop3A_194, %parallel_loop3A_195], %parallel_loop3A_192 {strides = array<i32>} : memref<8x2048xf32, #tpu.memory_space<vmem>>, vector<16xf32>,
        %parallel_loop3A_197 = tpu.vector_load_idx %arg7[%broadcast_in_dim3A_33, %parallel_loop3A_161] : memref<16x2048xf32, #tpu.memory_space<vmem>>[vector<16xi32>, vector<16xi32>], vector<16xf32>,
        %parallel_loop3A_198 = arith.constant 7 : i32
        %parallel_loop3A_199 = arith.index_cast %parallel_loop3A_198 : i32 to index
        %parallel_loop3A_200 = arith.index_cast %parallel_loop3A_159 : i32 to index
        %parallel_loop3A_201 = tpu.vector_load %arg9[%parallel_loop3A_199, %parallel_loop3A_200] {strides = array<i32>} : memref<8x2048xf32, #tpu.memory_space<vmem>>, vector<16xf32>,
        tpu.vector_store %arg9[%parallel_loop3A_199, %parallel_loop3A_200], %parallel_loop3A_197 {strides = array<i32>} : memref<8x2048xf32, #tpu.memory_space<vmem>>, vector<16xf32>,
      } {sc.loop_unroll_factor = 4 : i64, sc.parallel_access}
      %add3A_148 = arith.constant 3 : i32
      %add3A_149 = arith.addi %mul3A_59, %add3A_148 : i32
      %mul3A_150 = arith.constant 8 : i32
      %mul3A_151 = arith.muli %add3A_149, %mul3A_150 : i32
      %add3A_152 = arith.addi %mul3A_2, %mul3A_151 : i32
      %dma_start3A_153 = arith.constant 0 : i32
      %dma_start3A_154 = tpu.memref_slice %arg4[%add3A_152, %dma_start3A_153] : memref<8192x2048xf32, #tpu.memory_space<hbm>> -> memref<8x2048xf32, #tpu.memory_space<hbm>>
      %dma_start3A_155 = arith.constant 0 : i32
      %dma_start3A_156 = tpu.memref_slice %arg4[%add3A_152, %dma_start3A_155] : memref<8192x2048xf32, #tpu.memory_space<hbm>> -> memref<8x2048xf32, #tpu.memory_space<hbm>>
      tpu.enqueue_dma source(%arg9 : memref<8x2048xf32, #tpu.memory_space<vmem>>) target(%dma_start3A_156 : memref<8x2048xf32, #tpu.memory_space<hbm>>) target_semaphore(%arg13 : memref<!tpu.dma_semaphore, #tpu.memory_space<semaphore_mem>>)
    }
    %scan3A_43 = arith.constant 8 : i32
    %add3A_44 = arith.constant 240 : i32
    %add3A_45 = arith.addi %mul3A_2, %add3A_44 : i32
    %dma_wait3A = arith.constant 0 : i32
    %dma_wait3A_46 = tpu.memref_slice %arg4[%add3A_45, %dma_wait3A] : memref<8192x2048xf32, #tpu.memory_space<hbm>> -> memref<8x2048xf32, #tpu.memory_space<hbm>>
    %dma_wait3A_47 = arith.constant 0 : i32
    %dma_wait3A_48 = tpu.memref_slice %arg4[%add3A_45, %dma_wait3A_47] : memref<8192x2048xf32, #tpu.memory_space<hbm>> -> memref<8x2048xf32, #tpu.memory_space<hbm>>
    tpu.wait_dma2 semaphore(%arg12 : memref<!tpu.dma_semaphore, #tpu.memory_space<semaphore_mem>>) src(%arg8 : memref<8x2048xf32, #tpu.memory_space<vmem>>) dst(%dma_wait3A_48 : memref<8x2048xf32, #tpu.memory_space<hbm>>)
    %add3A_49 = arith.constant 248 : i32
    %add3A_50 = arith.addi %mul3A_2, %add3A_49 : i32
    %dma_wait3A_51 = arith.constant 0 : i32
    %dma_wait3A_52 = tpu.memref_slice %arg4[%add3A_50, %dma_wait3A_51] : memref<8192x2048xf32, #tpu.memory_space<hbm>> -> memref<8x2048xf32, #tpu.memory_space<hbm>>
    %dma_wait3A_53 = arith.constant 0 : i32
    %dma_wait3A_54 = tpu.memref_slice %arg4[%add3A_50, %dma_wait3A_53] : memref<8192x2048xf32, #tpu.memory_space<hbm>> -> memref<8x2048xf32, #tpu.memory_space<hbm>>
    tpu.wait_dma2 semaphore(%arg13 : memref<!tpu.dma_semaphore, #tpu.memory_space<semaphore_mem>>) src(%arg9 : memref<8x2048xf32, #tpu.memory_space<vmem>>) dst(%dma_wait3A_54 : memref<8x2048xf32, #tpu.memory_space<hbm>>)
    return
  }
}

</mosaic_0001>

<sc_bundles>
// kernel: kernel.3.cloned.1.call-start
scs
__scs_entry_jumppad:
0x0: {  	(pc) =	sbr.rel $0x88, $3  }
0x1: {  	(tag) =	ssettag $0x0;
	lr =	simm.s32 $0x1  }
0x2: {  	[smem:$0x3F9F] =	sst lr;
	_ =	strace $0xD0000000  }
0x3: {  	_ = 	snop  }
0x4: {  	_ = 	snop  }
0x5: {  	_ = 	snop  }
0x6: {  	_ = 	snop  }
0x7: {  	_ = 	snop  }
__scs_overlays_trampoline_lowered:
0x8: {  	[smem:$0x3FAE] =	sst s0  }
0x9: {  	[smem:$0x3FAF] =	sst s1  }
0xa: {  	[smem:$0x3FB0] =	sst s2  }
0xb: {  	[smem:$0x3FB1] =	sst s3  }
0xc: {  	[smem:$0x3FB2] =	sst s4  }
0xd: {  	[smem:$0x3FB3] =	sst s5  }
0xe: {  	[smem:$0x3FB4] =	sst s6  }
0xf: {  	[smem:$0x3FB5] =	sst s7  }
0x10: {  	[smem:$0x3FB6] =	sst s8  }
0x11: {  	[smem:$0x3FB7] =	sst s9;
	s0 =	simm.s32 @!p0 $0x0  }
0x12: {  	s1 =	sld [smem:$0x3F9D];
	s0 =	simm.s32 @p0 $0x1  }
0x13: {  	[smem:$0x3FB8] =	sst s0;
	s0 =	simm.s32 @!p1 $0x0  }
0x14: {  	s2 =	sld [smem:$0x3F9C];
	s0 =	simm.s32 @p1 $0x1  }
0x15: {  	[smem:$0x3FB9] =	sst s0;
	s0 =	simm.s32 @!p2 $0x0  }
0x16: {  	s3 =	sld [smem:$0x3FDB];
	s0 =	simm.s32 @p2 $0x1  }
0x17: {  	s4 =	simm.s32 $0x1BF5;
	[smem:$0x3FBB] =	sst s0  }
0x18: {  	s0 =	sld [smem:$0x3F9E];
	_ =	swait.ge [sflag:s4], $0x0  }
0x19: {  	s7 =	sld [smem:$0x3F9F]  }
0x1a: {  	s8 =	sadd.s32 $0xFFFFE003, lr  }
0x1b: {  	s9 =	sadd.s32 $0xFFFFFEF7, lr;
	s5 =	simm.s32 $0xFFFFFFFF;
	p2 =	slt.u32 s8, $0xFFFFF086  }
0x1c: {  	p1 =	slt.u32 s9, $0xF7A;
	s5 =	simm.s32 @!p2 $0x0  }
0x1d: {  	s5 =	simm.s32 @p1 $0x1;
	p0 =	seq.s32 s7, s2  }
0x1e: {  	s7 =	smul.u32 @!p0 $0xF7A, s2;
	p2 =	seq.s32 @!p0 s5, $0x0  }
0x1f: {  	s9 =	smul.u32 $0xF7A, s1;
	s8 =	simm.s32 @!p0 $0x1BF5;
	p2 =	por !p2, p0  }
0x20: {  	[sflag:s8] =	ssyncset.s32 @!p0 $0xFFFFF086;
	s6 =	sadd.s32 @!p0 s3, s7;
	s7 =	simm.s32 @!p0 $0x108  }
0x21: {  	s3 =	sadd.s32 s3, s9;
	s6 =	sadd.s32 @!p0 $0x88, s6;
	s7 =	simm.s32 @p2 $0x1082  }
0x22: {  	[simem:s7], [sflag:s8] =	dma.local @!p0 [hbm:s6], $0xF7A  }
0x23: {  	s9 =	sor.u32 $0xD0000000, s2;
	s6 =	simm.s32 $0x108;
	_ =	swait.ge @!p0 [sflag:s8], $0x0  }
0x24: {  	s3 =	sadd.s32 $0x88, s3;
	s6 =	simm.s32 @!p1 $0x1082;
	[sflag:s4] =	ssyncset.s32 $0xFFFFF086  }
0x25: {  	[simem:s6], [sflag:s4] =	dma.local [hbm:s3], $0xF7A  }
0x26: {  	[smem:$0x3F9F] =	sst s1;
	(tag) =	ssettag s2;
	_ =	strace s9  }
0x27: {  	s1 =	sld [smem:$0x3FAF]  }
0x28: {  	s2 =	sld [smem:$0x3FB0]  }
0x29: {  	s4 =	sld [smem:$0x3FB2]  }
0x2a: {  	p0 =	seq.s32 s5, $0x0;
	s5 =	sld [smem:$0x3FB3]  }
0x2b: {  	s6 =	sld [smem:$0x3FB4]  }
0x2c: {  	s7 =	sld [smem:$0x3FB5]  }
0x2d: {  	s3 =	simm.s32 $0x108;
	s8 =	sld [smem:$0x3FB6]  }
0x2e: {  	s3 =	simm.s32 @!p0 $0x1082;
	s9 =	sld [smem:$0x3FB7]  }
0x2f: {  	lr =	sadd.s32 s0, s3;
	s0 =	sld [smem:$0x3FAE]  }
0x30: {  	s3 =	sld [smem:$0x3FB1]  }
0x31: {  	[smem:$0x3FBA] =	sst s10  }
0x32: {  	s10 =	sld [smem:$0x3FB8];
	_ =	sdelay $0x3  }
0x33: {  	p0 =	seq.s32 s10, $0x1;
	s10 =	sld [smem:$0x3FBA];
	_ =	sdelay $0x3  }
0x34: {  	[smem:$0x3FBA] =	sst s10  }
0x35: {  	s10 =	sld [smem:$0x3FB9];
	_ =	sdelay $0x3  }
0x36: {  	p1 =	seq.s32 s10, $0x1;
	s10 =	sld [smem:$0x3FBA];
	_ =	sdelay $0x3  }
0x37: {  	[smem:$0x3FBA] =	sst s10  }
0x38: {  	s10 =	sld [smem:$0x3FBB]  }
0x39: {  	_ = 	snop;
	(pc) =	sbr.ind lr, $3  }
0x3a: {  	_ = 	snop  }
0x3b: {  	_ = 	snop  }
0x3c: {  	p2 =	seq.s32 s10, $0x1;
	s10 =	sld [smem:$0x3FBA]  }
0x3d: {  	_ =	shalt  }
0x3e: {  	_ =	shalt  }
0x3f: {  	_ =	shalt  }
0x40: {  	_ =	shalt  }
0x41: {  	_ =	shalt  }
0x42: {  	_ =	shalt  }
0x43: {  	_ =	shalt  }
0x44: {  	_ =	shalt  }
0x45: {  	_ =	shalt  }
0x46: {  	_ =	shalt  }
0x47: {  	_ =	shalt  }
0x48: {  	_ =	shalt  }
0x49: {  	_ =	shalt  }
0x4a: {  	_ =	shalt  }
0x4b: {  	_ =	shalt  }
0x4c: {  	_ =	shalt  }
0x4d: {  	_ =	shalt  }
0x4e: {  	_ =	shalt  }
0x4f: {  	_ =	shalt  }
0x50: {  	_ =	shalt  }
0x51: {  	_ =	shalt  }
0x52: {  	_ =	shalt  }
0x53: {  	_ =	shalt  }
0x54: {  	_ =	shalt  }
0x55: {  	_ =	shalt  }
0x56: {  	_ =	shalt  }
0x57: {  	_ =	shalt  }
0x58: {  	_ =	shalt  }
0x59: {  	_ =	shalt  }
0x5a: {  	_ =	shalt  }
0x5b: {  	_ =	shalt  }
0x5c: {  	_ =	shalt  }
0x5d: {  	_ =	shalt  }
0x5e: {  	_ =	shalt  }
0x5f: {  	_ =	shalt  }
0x60: {  	_ =	shalt  }
0x61: {  	_ =	shalt  }
0x62: {  	_ =	shalt  }
0x63: {  	_ =	shalt  }
0x64: {  	_ =	shalt  }
0x65: {  	_ =	shalt  }
0x66: {  	_ =	shalt  }
0x67: {  	_ =	shalt  }
0x68: {  	_ =	shalt  }
0x69: {  	_ =	shalt  }
0x6a: {  	_ =	shalt  }
0x6b: {  	_ =	shalt  }
0x6c: {  	_ =	shalt  }
0x6d: {  	_ =	shalt  }
0x6e: {  	_ =	shalt  }
0x6f: {  	_ =	shalt  }
0x70: {  	_ =	shalt  }
0x71: {  	_ =	shalt  }
0x72: {  	_ =	shalt  }
0x73: {  	_ =	shalt  }
0x74: {  	_ =	shalt  }
0x75: {  	_ =	shalt  }
0x76: {  	_ =	shalt  }
0x77: {  	_ =	shalt  }
0x78: {  	_ =	shalt  }
0x79: {  	_ =	shalt  }
0x7a: {  	_ =	shalt  }
0x7b: {  	_ =	shalt  }
0x7c: {  	_ =	shalt  }
0x7d: {  	_ =	shalt  }
0x7e: {  	_ =	shalt  }
0x7f: {  	_ =	shalt  }
0x80: {  	_ =	shalt  }
0x81: {  	_ =	shalt  }
0x82: {  	_ =	shalt  }
0x83: {  	_ =	shalt  }
0x84: {  	_ =	shalt  }
0x85: {  	_ =	shalt  }
0x86: {  	_ =	shalt  }
0x87: {  	_ =	shalt  }
.Lfunc_end0:
.L_simem_size_0:
called_computation_lowered:
.L_overlay_start_0:
0x88: {  	s2 =	sld [smem:$0x3FD9]  }
0x89: {  	s3 =	sld [smem:$0x3FFE];
	_ =	sdelay $0x1  }
0x8a: {  	s1 =	srdreg.scid  }
0x8b: {  	s0 =	sand.u32 $0x1, s1  }
0x8c: {  	s18 =	sshll.u32 s0, $0xA;
	s2 =	sadd.s32 s3, s2  }
0x8d: {  	s2 =	sadd.s32 s2, s18  }
0x8e: {  	[smem:$0x3FC6] =	sst s2  }
0x8f: {  	_ = 	snop  }
0x90: {  	s2 =	sld [smem:$0x3FC9]  }
0x91: {  	s19 =	sld [smem:$0x3FC8]  }
0x92: {  	s4 =	sld [smem:$0x3FD0];
	(tm) =	ssettm $0x1  }
0x93: {  	s5 =	sld [smem:$0x3FFB];
	_ =	sdelay $0x3  }
0x94: {  	_ =	strace s5  }
0x95: {  	s5 =	sld [smem:$0x3FFC];
	_ =	sdelay $0x3  }
0x96: {  	_ =	strace s5  }
0x97: {  	s5 =	sld [smem:$0x3FFD];
	_ =	sdelay $0x3  }
0x98: {  	_ =	strace s5  }
0x99: {  	_ =	strace $0x8FFFFFFF  }
0x9a: {  	s20 =	sld [smem:$0x3FDB];
	_ =	sdelay $0x1  }
0x9b: {  	s6 =	simm.s32 $_scs_section_size  }
0x9c: {  	s7 =	simm.s32 $_size__tile_overlayer_lowered;
	s8 =	simm.s32 $_tile_overlayer_lowered  }
0x9d: {  	s23 =	simm.s32 $0x1BFF;
	s22 =	sshll.u32 s8, $0x1;
	s5 =	sadd.s32 s6, s20  }
0x9e: {  	s9 =	simm.s32 $0x0;
	s21 =	sshll.u32 s7, $0x1;
	s7 =	sadd.s32 s22, s5  }
0x9f: {  	[timem:s9], [sflag:s23] =	dma.local [hbm:s7], s21  }
0xa0: {  	_ =	swait.ge [sflag:s23], s21  }
0xa1: {  	s6 =	ssub.s32 $0x0, s21;
	[sflag:s23] =	ssyncset.done $0x0  }
0xa2: {  	[sflag:s23] =	ssyncadd.s32 s6;
	_ =	sdelay $0x1  }
0xa3: {  	s24 =	simm.s32 $0x1B8B  }
0xa4: {  	_ =	swait.ge [sflag:s24], $0x1  }
0xa5: {  	[sflag:s24] =	ssyncset.done $0x0  }
0xa6: {  	s25 =	simm.s32 $0x1B8E;
	[sflag:s24] =	ssyncadd.s32 $0xFFFFFFFF  }
0xa7: {  	s26 =	simm.s32 $execute0_lowered;
	[smem:$0x3FD2] =	sst s25  }
0xa8: {  	s6 =	sshll.u32 s26, $0x1;
	_ =	strace $0x80000046;
	[dreg:$0x1] =	wrdreg $0xFFFFFFFF  }
0xa9: {  	s28 =	simm.s32 $_size_execute0_lowered;
	s5 =	sadd.s32 s5, s6;
	[dreg:$0x0] =	wrdreg $0x0  }
0xaa: {  	s6 =	sshll.u32 s28, $0x1;
	[dreg:$0x2] =	wrdreg s5  }
0xab: {  	[dreg:$0x3] =	wrdreg s6  }
0xac: {  	[dreg:$0x4] =	wrdreg $0xC0  }
0xad: {  	_ =	task [dreg:s9], $0x5FFFF  }
0xae: {  	[dreg:$0x1] =	wrdreg $0xFFFFFFFF  }
0xaf: {  	[dreg:$0x0] =	wrdreg $0x60  }
0xb0: {  	[dreg:$0x2] =	wrdreg s2  }
0xb1: {  	[dreg:$0x3] =	wrdreg s19  }
0xb2: {  	[dreg:$0x4] =	wrdreg s4  }
0xb3: {  	[dreg:$0x5] =	wrdreg $0x9  }
0xb4: {  	_ =	task.clear_ibuf [dreg:s9], $0x6FFFF;
	_ =	strace $0x90000046  }
0xb5: {  	s29 =	simm.s32 $0x9;
	_ =	strace $0x80000048  }
0xb6: {  	_ =	swait.ge [sflag:s29], $0x1  }
0xb7: {  	[sflag:s29] =	ssyncadd.s32 $0xFFFFFFFF  }
0xb8: {  	_ =	strace $0x90000048  }
0xb9: {  	_ =	sfence  }
0xba: {  	s30 =	sld [smem:$0x0];
	_ =	sdelay $0x2  }
0xbb: {  	s31 =	sshll.u32 s1, $0xD;
	s1 =	sshrl.u32 s1, $0x2  }
0xbc: {  	s3 =	sand.u32 $0x4000, s31;
	s1 =	sadd.s32 s1, s30  }
0xbd: {  	s0 =	sor.u32 s3, s0;
	s1 =	sshll.u32 s1, $0x11  }
0xbe: {  	s0 =	sor.u32 s1, s0  }
0xbf: {  	s0 =	sadd.s32 $0x8F2B, s0  }
0xc0: {  	[sflag:s0] =	ssyncadd.remote.s32 $0x1  }
0xc1: {  	_ =	sfence.sel $0xFFFF  }
0xc2: {  	[dreg:$0x0] =	wrdreg $0xFFFFFFFF;
	(pc) =	sbr.abs _section_cstart, $3  }
0xc3: {  	[dreg:$0x1] =	wrdreg $0xFFFFFFFF  }
0xc4: {  	_ =	task.clear_ibuf [dreg:s9], $0x2FFFF;
	_ =	strace $0x9FFFFFFF  }
0xc5: {  	(tm) =	ssettm $0x7FFFFFFF  }
tec
execute0_lowered:
.L_overlay_start_1:
0x0: {  	(tag) =	ssettag $0x1  }
0x1: {  	s3 =	rddreg [dreg:$0x0]  }
0x2: {  	s4 =	rddreg [dreg:$0x2];
	s0 =	srdreg.scid  }
0x3: {  	s1 =	stileid.u32;
	s5 =	simm.s32 $0x0;
	s0 =	sand.u32 $0x1, s0  }
0x4: {  	s12 =	simm.s32 $0x800;
	s1 =	sshll.u32 s1, $0x9;
	s2 =	sshll.u32 s0, $0x8  }
0x5: {  	[smem:$0x7FF] =	sst s5;
	s0 =	ssub.s32 $0x2, s0;
	s6 =	sor.u32 s2, s1  }
0x6: {  	_ =	strace $0x80000047;
	s2 =	sshll.u32 s6, $0x8;
	s31 =	sor.u32 $0x20, s6  }
0x7: {  	s28 =	sshrl.u32 s0, $0x1;
	s29 =	sadd.s32 s3, s2;
	[dreg:$0x6] =	wrdreg s31  }
0x8: {  	s0 =	ssub.s32 s0, s28;
	s30 =	sadd.s32 s4, s2;
	[dreg:$0x4] =	wrdreg s29  }
0x9: {  	s13 =	simm.s32 $0x8800;
	s0 =	smax.u32 s0, $0x1;
	[dreg:$0x5] =	wrdreg s30  }
0xa: {  	s19 =	simm.s32 $0x4;
	s1 =	simm.s32 $0x0;
	[dreg:$0x7] =	wrdreg s0  }
.LBB2_1:
0xb: {  	[dreg:$0x8] =	wrdreg s1  }
0xc: {  	s0 =	rddreg [dreg:$0x1];
	s30 =	simm.s32 $0x5  }
0xd: {  	[tilespmem:s5], [sflag:$0x5] =	stream.linear.gather [hbm4b:s0+s5], $0x800, $0x38;
	[tilespmem:$0x18800] =	vst v63  }
0xe: {  	_ =	swait.ge [sflag:s30], $0x800  }
0xf: {  	[sflag:s30] =	ssyncset.done $0x0  }
0x10: {  	s21 =	simm.s32 $0x0;
	s31 =	rddreg [dreg:$0x4];
	[sflag:s30] =	ssyncadd.s32 $0xFFFFF800  }
0x11: {  	[tilespmem:s12], [sflag:$0x1] =	stream.linear.gather [hbm4b:s31+s5], $0x8000, $0x38;
	[tilespmem:$0x18800] =	vst v63  }
.LBB2_2:
0x12: {  	s23 =	sshll.u32 s21, $0x5  }
0x13: {  	s0 =	sor.u32 s23, s6  }
0x14: {  	s0 =	sshll.u32 s0, $0x8  }
0x15: {  	s11 =	rddreg [dreg:$0x0];
	s22 =	sor.u32 $0x1000, s0  }
0x16: {  	s14 =	simm.s32 $0x1;
	s0 =	sadd.s32 s11, s22  }
0x17: {  	[tilespmem:s13], [sflag:$0x2] =	stream.linear.gather [hbm4b:s0+s5], $0x8000, $0x38;
	[tilespmem:$0x18800] =	vst v63  }
0x18: {  	_ =	swait.ge [sflag:s14], $0x8000  }
0x19: {  	p0 =	seq.s32 s21, $0x0;
	[sflag:s14] =	ssyncset.done $0x0  }
0x1a: {  	s1 =	simm.s32 $0x0;
	s0 =	simm.s32 @!p0 $0x3;
	[sflag:s14] =	ssyncadd.s32 $0xFFFF8000  }
0x1b: {  	s2 =	sand.u32 $0x40, s1;
	_ =	swait.ge @!p0 [sflag:s0], $0x4000  }
0x1c: {  	s3 =	sand.u32 $0x780, s1;
	s4 =	sor.u32 $0x30, s2;
	[sflag:s0] =	ssyncset.done @!p0 $0x0  }
0x1d: {  	s15 =	sor.u32 s4, s3;
	[sflag:s0] =	ssyncadd.s32 @!p0 $0xFFFFC000  }
0x1e: {  	v0 =	vld [tilespmem:s15+$0x0]  }
0x1f: {  	s16 =	sor.u32 $0x10, s2;
	v1 =	vld [tilespmem:s1+$0x0]  }
0x20: {  	s7 =	sor.u32 $0x20, s2;
	s8 =	sor.u32 s16, s3  }
0x21: {  	s3 =	sor.u32 s7, s3;
	v2 =	vld [tilespmem:s8+$0x0]  }
0x22: {  	v3 =	vld [tilespmem:s3+$0x0]  }
0x23: {  	v4 =	vshll.u32 v0, $0x3  }
0x24: {  	v5 =	vshll.u32 v1, $0x3;
	v0 =	vand.u32 $0x7F, v0;
	v4 =	vand.u32 $0xFFFFFC00, v4  }
0x25: {  	v1 =	vand.u32 $0x7F, v1;
	v6 =	vand.u32 $0xFFFFFC00, v5;
	v5 =	vor.u32 v0, v4  }
0x26: {  	v0 =	vor.u32 v1, v6;
	v1 =	vshll.u32 v2, $0x3  }
0x27: {  	v4 =	vshll.u32 v3, $0x3;
	v2 =	vand.u32 $0x7F, v2;
	v1 =	vand.u32 $0xFFFFFC00, v1  }
0x28: {  	v6 =	vand.u32 $0xFFFFFC00, v4;
	v4 =	vor.u32 v2, v1;
	v1 =	vand.u32 $0x7F, v3  }
0x29: {  	v3 =	vor.u32 v1, v6  }
0x2a: {  	v1 =	vld.idx.msk [tilespmem:v5+s12+$0x0], $0xffff  }
0x2b: {  	v6 =	vor.u32 $0x80, v5;
	v2 =	vld.idx.msk [tilespmem:v0+s12+$0x0], $0xffff  }
0x2c: {  	s1 =	sand.u32 $0x3C00, s1;
	v7 =	vor.u32 $0x80, v0  }
0x2d: {  	s1 =	sadd.s32 $0x10800, s1;
	v8 =	vld.idx.msk [tilespmem:v4+s12+$0x0], $0xffff  }
0x2e: {  	s4 =	sor.u32 s4, s1;
	v9 =	vor.u32 $0x80, v4;
	v10 =	vld.idx.msk [tilespmem:v3+s12+$0x0], $0xffff  }
0x2f: {  	s17 =	sor.u32 s2, s1;
	v11 =	vor.u32 $0x80, v3;
	[tilespmem:s4+$0x0] =	vst v1  }
0x30: {  	[tilespmem:s17+$0x0] =	vst v2;
	v1 =	vld.idx.msk [tilespmem:v6+s12+$0x0], $0xffff  }
0x31: {  	s9 =	sor.u32 s16, s1;
	v2 =	vld.idx.msk [tilespmem:v7+s12+$0x0], $0xffff;
	v6 =	vor.u32 $0x100, v5  }
0x32: {  	s7 =	sor.u32 s7, s1;
	v7 =	vor.u32 $0x100, v0;
	[tilespmem:s9+$0x0] =	vst v8  }
0x33: {  	v8 =	vld.idx.msk [tilespmem:v9+s12+$0x0], $0xffff;
	[tilespmem:s7+$0x0] =	vst v10  }
0x34: {  	v9 =	vor.u32 $0x100, v4;
	v10 =	vld.idx.msk [tilespmem:v11+s12+$0x0], $0xffff  }
0x35: {  	v11 =	vor.u32 $0x100, v3;
	[tilespmem:s4+$0x80] =	vst v1  }
0x36: {  	[tilespmem:s17+$0x80] =	vst v2;
	v1 =	vld.idx.msk [tilespmem:v6+s12+$0x0], $0xffff  }
0x37: {  	v2 =	vld.idx.msk [tilespmem:v7+s12+$0x0], $0xffff;
	v6 =	vor.u32 $0x180, v5  }
0x38: {  	v7 =	vor.u32 $0x180, v0;
	[tilespmem:s9+$0x80] =	vst v8  }
0x39: {  	v8 =	vld.idx.msk [tilespmem:v9+s12+$0x0], $0xffff;
	[tilespmem:s7+$0x80] =	vst v10  }
0x3a: {  	s24 =	simm.s32 $0x40;
	v9 =	vor.u32 $0x180, v4;
	v10 =	vld.idx.msk [tilespmem:v11+s12+$0x0], $0xffff  }
0x3b: {  	s18 =	sand.u32 $0x40, s24;
	v11 =	vld [tilespmem:s24+$0x0];
	[tilespmem:s4+$0x100] =	vst v1  }
0x3c: {  	s10 =	sand.u32 $0x780, s24;
	s20 =	sor.u32 $0x30, s18;
	[tilespmem:s17+$0x100] =	vst v2;
	v1 =	vld.idx.msk [tilespmem:v6+s12+$0x0], $0xffff  }
0x3d: {  	s26 =	sor.u32 s20, s10;
	v2 =	vor.u32 $0x180, v3;
	v6 =	vld.idx.msk [tilespmem:v7+s12+$0x0], $0xffff  }
0x3e: {  	s30 =	sor.u32 $0x10, s18;
	v7 =	vor.u32 $0x200, v5;
	[tilespmem:s9+$0x100] =	vst v8;
	v8 =	vld [tilespmem:s26+$0x0]  }
0x3f: {  	s31 =	sor.u32 $0x20, s18;
	s11 =	sor.u32 s30, s10;
	v9 =	vld.idx.msk [tilespmem:v9+s12+$0x0], $0xffff  }
0x40: {  	s10 =	sor.u32 s31, s10;
	v13 =	vld [tilespmem:s11+$0x0];
	v12 =	vor.u32 $0x200, v4;
	v14 =	vshll.u32 v11, $0x3  }
0x41: {  	v15 =	vld [tilespmem:s10+$0x0];
	[tilespmem:s7+$0x100] =	vst v10;
	v10 =	vor.u32 $0x200, v0;
	v11 =	vand.u32 $0x7F, v11;
	v14 =	vand.u32 $0xFFFFFC00, v14  }
0x42: {  	p1 =	por $0x0, $0x0;
	v16 =	vld.idx.msk [tilespmem:v2+s12+$0x0], $0xffff;
	[tilespmem:s4+$0x180] =	vst v1;
	v1 =	vor.u32 v11, v14;
	s4 =	simm.s32 $0x1  }
0x43: {  	v11 =	vor.u32 $0x200, v3;
	v7 =	vld.idx.msk [tilespmem:v7+s12+$0x0], $0xffff;
	v2 =	vshll.u32 v8, $0x3;
	s4 =	simm.s32 @!p1 $0x0  }
0x44: {  	v8 =	vand.u32 $0x7F, v8;
	[tilespmem:s9+$0x180] =	vst v9;
	v2 =	vand.u32 $0xFFFFFC00, v2;
	s4 =	sshll.u32 s4, $0x6;
	v9 =	vor.u32 $0x280, v5  }
0x45: {  	v14 =	vor.u32 $0x280, v4;
	[tilespmem:s17+$0x180] =	vst v6;
	v6 =	vld.idx.msk [tilespmem:v12+s12+$0x0], $0xffff;
	v12 =	vshll.u32 v13, $0x3;
	v2 =	vor.u32 v8, v2;
	s3 =	sadd.s32 $0x0, s4  }
0x46: {  	v8 =	vld.idx.msk [tilespmem:v10+s12+$0x0], $0xffff;
	v10 =	vshll.u32 v15, $0x3;
	v13 =	vand.u32 $0x7F, v13;
	v12 =	vand.u32 $0xFFFFFC00, v12;
	s4 =	sadd.s32 $0x30, s3  }
0x47: {  	v10 =	vand.u32 $0xFFFFFC00, v10;
	[tilespmem:s7+$0x180] =	vst v16;
	v17 =	vld.idx.msk [tilespmem:v1+s12+$0x0], $0xffff;
	v21 =	vor.u32 v13, v12;
	v12 =	vand.u32 $0x7F, v15;
	s10 =	sor.u32 $0x200, s4  }
0x48: {  	s7 =	sadd.s32 $0x10, s3;
	v11 =	vld.idx.msk [tilespmem:v11+s12+$0x0], $0xffff;
	v10 =	vor.u32 v12, v10;
	[tilespmem:s10+$0x10800] =	vst v7  }
0x49: {  	s11 =	sor.u32 $0x200, s7;
	v7 =	vor.u32 $0x280, v0;
	v9 =	vld.idx.msk [tilespmem:v9+s12+$0x0], $0xffff  }
0x4a: {  	s25 =	simm.s32 $0x200;
	s14 =	sor.u32 $0x200, s3;
	v12 =	vor.u32 $0x280, v3;
	v13 =	vld.idx.msk [tilespmem:v2+s12+$0x0], $0xffff;
	[tilespmem:s11+$0x10800] =	vst v6  }
0x4b: {  	s16 =	sand.u32 $0x3C00, s25;
	s9 =	sadd.s32 $0x20, s3;
	[tilespmem:s14+$0x10800] =	vst v8;
	v8 =	vor.u32 $0x80, v1;
	v6 =	vld.idx.msk [tilespmem:v14+s12+$0x0], $0xffff  }
0x4c: {  	s15 =	sor.u32 $0x200, s9;
	s10 =	sadd.s32 $0x10800, s16;
	v14 =	vor.u32 $0x300, v5;
	v15 =	vld.idx.msk [tilespmem:v21+s12+$0x0], $0xffff  }
0x4d: {  	v16 =	vor.u32 $0x80, v2;
	s11 =	sor.u32 s18, s10;
	[tilespmem:s15+$0x10800] =	vst v11;
	v18 =	vld.idx.msk [tilespmem:v10+s12+$0x0], $0xffff  }
0x4e: {  	s17 =	sor.u32 $0x280, s4;
	v19 =	vor.u32 $0x80, v21;
	[tilespmem:s11+$0x0] =	vst v17;
	v7 =	vld.idx.msk [tilespmem:v7+s12+$0x0], $0xffff  }
0x4f: {  	s1 =	sor.u32 s20, s10;
	v11 =	vor.u32 $0x80, v10;
	v12 =	vld.idx.msk [tilespmem:v12+s12+$0x0], $0xffff;
	[tilespmem:s17+$0x10800] =	vst v9  }
0x50: {  	s18 =	sor.u32 $0x280, s7;
	v9 =	vor.u32 $0x300, v4;
	[tilespmem:s1+$0x0] =	vst v13;
	v8 =	vld.idx.msk [tilespmem:v8+s12+$0x0], $0xffff  }
0x51: {  	s29 =	sor.u32 s30, s10;
	v13 =	vld.idx.msk [tilespmem:v14+s12+$0x0], $0xffff;
	v14 =	vor.u32 $0x300, v3;
	[tilespmem:s18+$0x10800] =	vst v6  }
0x52: {  	s2 =	sor.u32 s31, s10;
	v5 =	vor.u32 $0x380, v5;
	v16 =	vld.idx.msk [tilespmem:v16+s12+$0x0], $0xffff;
	[tilespmem:s29+$0x0] =	vst v15  }
0x53: {  	s20 =	sor.u32 $0x280, s9;
	v17 =	vor.u32 $0x100, v2;
	v15 =	vld.idx.msk [tilespmem:v19+s12+$0x0], $0xffff;
	[tilespmem:s2+$0x0] =	vst v18  }
0x54: {  	v18 =	vor.u32 $0x100, v1;
	[tilespmem:s20+$0x10800] =	vst v12;
	v20 =	vld.idx.msk [tilespmem:v11+s12+$0x0], $0xffff  }
0x55: {  	s26 =	sor.u32 $0x300, s4;
	v6 =	vor.u32 $0x100, v21;
	v22 =	vld.idx.msk [tilespmem:v9+s12+$0x0], $0xffff;
	[tilespmem:s11+$0x80] =	vst v8  }
0x56: {  	v23 =	vor.u32 $0x100, v10;
	v14 =	vld.idx.msk [tilespmem:v14+s12+$0x0], $0xffff;
	[tilespmem:s26+$0x10800] =	vst v13  }
0x57: {  	[tilespmem:s1+$0x80] =	vst v16;
	v16 =	vor.u32 $0x300, v0;
	v24 =	vld.idx.msk [tilespmem:v5+s12+$0x0], $0xffff  }
0x58: {  	v25 =	vor.u32 $0x380, v4;
	v19 =	vld.idx.msk [tilespmem:v17+s12+$0x0], $0xffff;
	[tilespmem:s29+$0x80] =	vst v15  }
0x59: {  	s31 =	sor.u32 $0x300, s7;
	v4 =	vor.u32 $0x380, v21;
	v17 =	vld.idx.msk [tilespmem:v18+s12+$0x0], $0xffff;
	[tilespmem:s2+$0x80] =	vst v20  }
0x5a: {  	s30 =	sor.u32 $0x280, s3;
	v11 =	vor.u32 $0x200, v21;
	v8 =	vor.u32 $0x280, v21;
	v18 =	vld.idx.msk [tilespmem:v6+s12+$0x0], $0xffff;
	[tilespmem:s31+$0x10800] =	vst v22;
	v22 =	vor.u32 $0x180, v2  }
0x5b: {  	s0 =	simm.s32 $0x4;
	s4 =	sor.u32 $0x380, s4;
	[tilespmem:s30+$0x10800] =	vst v7;
	v13 =	vor.u32 $0x180, v21;
	v6 =	vor.u32 $0x300, v21;
	v21 =	vor.u32 $0x180, v1;
	v20 =	vld.idx.msk [tilespmem:v23+s12+$0x0], $0xffff  }
0x5c: {  	s28 =	sor.u32 $0x380, s9;
	s10 =	sor.u32 $0x300, s3;
	s7 =	sor.u32 $0x380, s7;
	v3 =	vor.u32 $0x380, v3;
	v12 =	vor.u32 $0x180, v10;
	v7 =	vor.u32 $0x280, v10;
	v15 =	vld.idx.msk [tilespmem:v16+s12+$0x0], $0xffff  }
0x5d: {  	s20 =	sor.u32 $0x300, s9;
	v9 =	vor.u32 $0x200, v10;
	s26 =	sor.u32 $0x380, s3;
	s3 =	simm.s32 $0x80;
	v5 =	vor.u32 $0x300, v10;
	v10 =	vor.u32 $0x380, v10;
	v16 =	vld.idx.msk [tilespmem:v25+s12+$0x0], $0xffff;
	[tilespmem:s4+$0x10800] =	vst v24  }
.LBB2_3:
0x5e: {  	v23 =	vld [tilespmem:s3+$0x0];
	[tilespmem:s1+$0x100] =	vst v19;
	s24 =	sadd.s32 $0x40, s24  }
0x5f: {  	s0 =	sadd.s32 $0x4, s0;
	s4 =	sand.u32 $0x40, s24;
	[tilespmem:s11+$0x100] =	vst v17;
	v17 =	vld.idx.msk [tilespmem:v22+s12+$0x0], $0xffff  }
0x60: {  	s14 =	sand.u32 $0x780, s24;
	p2 =	slt.u32 s0, $0x7C;
	s8 =	sor.u32 $0x30, s4;
	v19 =	vld.idx.msk [tilespmem:v21+s12+$0x0], $0xffff;
	[tilespmem:s29+$0x100] =	vst v18  }
0x61: {  	s15 =	sor.u32 $0x10, s4;
	s9 =	sor.u32 $0x20, s4;
	v18 =	vor.u32 $0x200, v2;
	s16 =	sor.u32 s8, s14;
	v13 =	vld.idx.msk [tilespmem:v13+s12+$0x0], $0xffff;
	[tilespmem:s2+$0x100] =	vst v20  }
0x62: {  	v21 =	vor.u32 $0x200, v1;
	s17 =	sor.u32 s15, s14;
	s14 =	sor.u32 s9, s14;
	v20 =	vld [tilespmem:s16+$0x0];
	[tilespmem:s20+$0x10800] =	vst v14  }
0x63: {  	v14 =	vld [tilespmem:s17+$0x0];
	[tilespmem:s10+$0x10800] =	vst v15  }
0x64: {  	v15 =	vshll.u32 v23, $0x3;
	v22 =	vld [tilespmem:s14+$0x0];
	[tilespmem:s7+$0x10800] =	vst v16  }
0x65: {  	v16 =	vand.u32 $0x7F, v23;
	v15 =	vand.u32 $0xFFFFFC00, v15;
	v12 =	vld.idx.msk [tilespmem:v12+s12+$0x0], $0xffff;
	[tilespmem:s1+$0x180] =	vst v17;
	v17 =	vor.u32 $0x380, v0;
	v0 =	vmovc v1  }
0x66: {  	p1 =	por !p1, !p1;
	v1 =	vor.u32 v16, v15;
	s1 =	simm.s32 $0x1;
	[tilespmem:s11+$0x180] =	vst v19;
	v15 =	vld.idx.msk [tilespmem:v18+s12+$0x0], $0xffff  }
0x67: {  	s1 =	simm.s32 @!p1 $0x0;
	v16 =	vshll.u32 v20, $0x3;
	v18 =	vld.idx.msk [tilespmem:v21+s12+$0x0], $0xffff;
	[tilespmem:s29+$0x180] =	vst v13  }
0x68: {  	v13 =	vand.u32 $0x7F, v20;
	s1 =	sshll.u32 s1, $0x6;
	v16 =	vand.u32 $0xFFFFFC00, v16;
	v19 =	vld.idx.msk [tilespmem:v11+s12+$0x0], $0xffff;
	v11 =	vor.u32 $0x280, v2  }
0x69: {  	v20 =	vshll.u32 v14, $0x3;
	s1 =	sadd.s32 s1, s25;
	v21 =	vshll.u32 v22, $0x3;
	v16 =	vor.u32 v13, v16;
	v23 =	vld.idx.msk [tilespmem:v3+s12+$0x0], $0xffff;
	v3 =	vmovc v10  }
0x6a: {  	v10 =	vand.u32 $0x7F, v14;
	v13 =	vand.u32 $0xFFFFFC00, v20;
	s7 =	sadd.s32 $0x10, s1;
	s11 =	sadd.s32 $0x20, s1;
	s30 =	sadd.s32 $0x30, s1;
	v14 =	vand.u32 $0xFFFFFC00, v21;
	v17 =	vld.idx.msk [tilespmem:v17+s12+$0x0], $0xffff  }
0x6b: {  	v10 =	vor.u32 v10, v13;
	v13 =	vand.u32 $0x7F, v22;
	v21 =	vor.u32 $0x280, v0;
	s29 =	sor.u32 $0x200, s7;
	s10 =	sor.u32 $0x200, s30;
	v20 =	vld.idx.msk [tilespmem:v1+s12+$0x0], $0xffff;
	[tilespmem:s2+$0x180] =	vst v12;
	s2 =	sor.u32 $0x200, s11  }
0x6c: {  	s14 =	sor.u32 $0x200, s1;
	s31 =	sor.u32 $0x280, s7;
	s17 =	sor.u32 $0x280, s11;
	v22 =	vor.u32 $0x80, v10;
	v24 =	vor.u32 $0x100, v10;
	v14 =	vor.u32 v13, v14;
	v25 =	vld.idx.msk [tilespmem:v9+s12+$0x0], $0xffff;
	[tilespmem:s10+$0x10800] =	vst v15  }
0x6d: {  	s16 =	sor.u32 $0x280, s1;
	s20 =	sor.u32 $0x300, s11;
	v13 =	vor.u32 $0x180, v10;
	v15 =	vor.u32 $0x80, v14;
	v26 =	vor.u32 $0x100, v14;
	[tilespmem:s14+$0x10800] =	vst v18;
	s14 =	sor.u32 $0x300, s7;
	v18 =	vld.idx.msk [tilespmem:v11+s12+$0x0], $0xffff  }
0x6e: {  	s11 =	sor.u32 $0x380, s11;
	v12 =	vor.u32 $0x180, v14;
	v9 =	vor.u32 $0x200, v14;
	s10 =	sor.u32 $0x300, s1;
	v11 =	vor.u32 $0x200, v10;
	s7 =	sor.u32 $0x380, s7;
	v27 =	vld.idx.msk [tilespmem:v16+s12+$0x0], $0xffff;
	[tilespmem:s29+$0x10800] =	vst v19  }
0x6f: {  	v29 =	vor.u32 $0x300, v2;
	s1 =	sor.u32 $0x380, s1;
	v19 =	vor.u32 $0x280, v14;
	v28 =	vld.idx.msk [tilespmem:v8+s12+$0x0], $0xffff;
	v8 =	vor.u32 $0x280, v10;
	[tilespmem:s28+$0x10800] =	vst v23;
	s28 =	smov.u32 s11  }
0x70: {  	s25 =	sadd.s32 $0x200, s25;
	v32 =	vor.u32 $0x80, v16;
	v30 =	vor.u32 $0x300, v10;
	v31 =	vor.u32 $0x300, v14;
	v23 =	vld.idx.msk [tilespmem:v10+s12+$0x0], $0xffff;
	[tilespmem:s26+$0x10800] =	vst v17;
	s26 =	smov.u32 s1  }
0x71: {  	v33 =	vor.u32 $0x380, v10;
	s1 =	sand.u32 $0x3C00, s25;
	v17 =	vor.u32 $0x80, v1;
	v10 =	vor.u32 $0x380, v14;
	v34 =	vld.idx.msk [tilespmem:v14+s12+$0x0], $0xffff  }
0x72: {  	s18 =	sadd.s32 $0x10800, s1;
	v35 =	vld.idx.msk [tilespmem:v21+s12+$0x0], $0xffff;
	[tilespmem:s2+$0x10800] =	vst v25;
	s2 =	sor.u32 $0x280, s30  }
0x73: {  	s11 =	sor.u32 s4, s18;
	s29 =	sor.u32 s15, s18;
	s1 =	sor.u32 s8, s18;
	v14 =	vld.idx.msk [tilespmem:v7+s12+$0x0], $0xffff;
	[tilespmem:s2+$0x10800] =	vst v18;
	v7 =	vmov v19  }
0x74: {  	s2 =	sor.u32 s9, s18;
	[tilespmem:s1+$0x0] =	vst v27;
	v18 =	vld.idx.msk [tilespmem:v29+s12+$0x0], $0xffff  }
0x75: {  	[tilespmem:s11+$0x0] =	vst v20;
	v19 =	vld.idx.msk [tilespmem:v32+s12+$0x0], $0xffff  }
0x76: {  	v20 =	vor.u32 $0x380, v2;
	v2 =	vmov v16;
	v17 =	vld.idx.msk [tilespmem:v17+s12+$0x0], $0xffff;
	[tilespmem:s29+$0x0] =	vst v23  }
0x77: {  	v21 =	vor.u32 $0x100, v2;
	v16 =	vld.idx.msk [tilespmem:v22+s12+$0x0], $0xffff;
	[tilespmem:s2+$0x0] =	vst v34  }
0x78: {  	v22 =	vor.u32 $0x100, v1;
	v15 =	vld.idx.msk [tilespmem:v15+s12+$0x0], $0xffff;
	[tilespmem:s31+$0x10800] =	vst v28  }
0x79: {  	s4 =	sor.u32 $0x300, s30;
	v23 =	vld.idx.msk [tilespmem:v6+s12+$0x0], $0xffff;
	[tilespmem:s17+$0x10800] =	vst v14;
	v6 =	vmov v30  }
0x7a: {  	v14 =	vld.idx.msk [tilespmem:v5+s12+$0x0], $0xffff;
	[tilespmem:s4+$0x10800] =	vst v18;
	v5 =	vmov v31  }
0x7b: {  	v25 =	vor.u32 $0x300, v0;
	[tilespmem:s1+$0x80] =	vst v19;
	v27 =	vld.idx.msk [tilespmem:v20+s12+$0x0], $0xffff  }
0x7c: {  	[tilespmem:s11+$0x80] =	vst v17;
	v19 =	vld.idx.msk [tilespmem:v21+s12+$0x0], $0xffff  }
.Ltmp0:
0x7d: {  	v17 =	vld.idx.msk [tilespmem:v22+s12+$0x0], $0xffff;
	[tilespmem:s29+$0x80] =	vst v16;
	(pc) =	sbr.rel @p2 .LBB2_3-.Ltmp0, $4  }
0x7e: {  	v22 =	vor.u32 $0x180, v2;
	v18 =	vld.idx.msk [tilespmem:v24+s12+$0x0], $0xffff;
	[tilespmem:s2+$0x80] =	vst v15  }
0x7f: {  	v21 =	vor.u32 $0x180, v1;
	v20 =	vld.idx.msk [tilespmem:v26+s12+$0x0], $0xffff;
	[tilespmem:s16+$0x10800] =	vst v35  }
0x80: {  	s4 =	sor.u32 $0x380, s30;
	v15 =	vld.idx.msk [tilespmem:v25+s12+$0x0], $0xffff;
	[tilespmem:s14+$0x10800] =	vst v23  }
0x81: {  	s3 =	sadd.s32 $0x40, s3;
	v16 =	vld.idx.msk [tilespmem:v4+s12+$0x0], $0xffff;
	[tilespmem:s4+$0x10800] =	vst v27;
	v4 =	vmov v33  }
0x82: {  	_ =	sdelay $0x2  }
0x83: {  	[tilespmem:s1+$0x100] =	vst v19  }
0x84: {  	v19 =	vld.idx.msk [tilespmem:v22+s12+$0x0], $0xffff;
	[tilespmem:s29+$0x100] =	vst v18  }
0x85: {  	[tilespmem:s11+$0x100] =	vst v17;
	v18 =	vor.u32 $0x200, v2;
	v13 =	vld.idx.msk [tilespmem:v13+s12+$0x0], $0xffff  }
0x86: {  	v17 =	vld.idx.msk [tilespmem:v21+s12+$0x0], $0xffff;
	[tilespmem:s2+$0x100] =	vst v20  }
0x87: {  	v20 =	vor.u32 $0x200, v1;
	v12 =	vld.idx.msk [tilespmem:v12+s12+$0x0], $0xffff;
	_ =	sdelay $0x1  }
0x88: {  	p1 =	por !p1, !p1;
	s0 =	simm.s32 $0x1;
	[tilespmem:s1+$0x180] =	vst v19  }
0x89: {  	s0 =	simm.s32 @!p1 $0x0;
	v18 =	vld.idx.msk [tilespmem:v18+s12+$0x0], $0xffff;
	[tilespmem:s29+$0x180] =	vst v13  }
0x8a: {  	s0 =	sshll.u32 s0, $0x6;
	[tilespmem:s11+$0x180] =	vst v17;
	v13 =	vor.u32 $0x280, v2;
	v11 =	vld.idx.msk [tilespmem:v11+s12+$0x0], $0xffff  }
0x8b: {  	s0 =	sadd.s32 s0, s25;
	[tilespmem:s2+$0x180] =	vst v12;
	v12 =	vld.idx.msk [tilespmem:v20+s12+$0x0], $0xffff  }
0x8c: {  	s1 =	sadd.s32 $0x30, s0;
	v17 =	vor.u32 $0x280, v1;
	v9 =	vld.idx.msk [tilespmem:v9+s12+$0x0], $0xffff  }
0x8d: {  	s3 =	sor.u32 $0x200, s1;
	s2 =	sadd.s32 $0x10, s0  }
0x8e: {  	s8 =	sor.u32 $0x200, s2;
	[tilespmem:s3+$0x10800] =	vst v18  }
0x8f: {  	s4 =	sadd.s32 $0x20, s0;
	s11 =	sor.u32 $0x200, s0;
	v13 =	vld.idx.msk [tilespmem:v13+s12+$0x0], $0xffff;
	[tilespmem:s8+$0x10800] =	vst v11  }
0x90: {  	s9 =	sor.u32 $0x200, s4;
	v11 =	vor.u32 $0x300, v2;
	[tilespmem:s11+$0x10800] =	vst v12;
	v8 =	vld.idx.msk [tilespmem:v8+s12+$0x0], $0xffff  }
0x91: {  	[tilespmem:s9+$0x10800] =	vst v9;
	v9 =	vld.idx.msk [tilespmem:v17+s12+$0x0], $0xffff  }
0x92: {  	v12 =	vor.u32 $0x300, v1;
	v7 =	vld.idx.msk [tilespmem:v7+s12+$0x0], $0xffff  }
0x93: {  	[tilespmem:s20+$0x10800] =	vst v14;
	s14 =	sor.u32 $0x280, s1  }
0x94: {  	s15 =	sor.u32 $0x280, s2;
	[tilespmem:s14+$0x10800] =	vst v13  }
0x95: {  	v0 =	vor.u32 $0x380, v0;
	s17 =	sor.u32 $0x280, s0;
	v11 =	vld.idx.msk [tilespmem:v11+s12+$0x0], $0xffff;
	[tilespmem:s15+$0x10800] =	vst v8  }
0x96: {  	s16 =	sor.u32 $0x280, s4;
	v2 =	vor.u32 $0x380, v2;
	[tilespmem:s17+$0x10800] =	vst v9;
	v6 =	vld.idx.msk [tilespmem:v6+s12+$0x0], $0xffff  }
0x97: {  	[tilespmem:s16+$0x10800] =	vst v7;
	v7 =	vld.idx.msk [tilespmem:v12+s12+$0x0], $0xffff  }
0x98: {  	[tilespmem:s10+$0x10800] =	vst v15;
	v1 =	vor.u32 $0x380, v1;
	v5 =	vld.idx.msk [tilespmem:v5+s12+$0x0], $0xffff  }
0x99: {  	v3 =	vld.idx.msk [tilespmem:v3+s12+$0x0], $0xffff;
	[tilespmem:s7+$0x10800] =	vst v16;
	s18 =	sor.u32 $0x300, s1  }
0x9a: {  	v0 =	vld.idx.msk [tilespmem:v0+s12+$0x0], $0xffff;
	s20 =	sor.u32 $0x300, s2;
	[tilespmem:s18+$0x10800] =	vst v11  }
0x9b: {  	s25 =	sor.u32 $0x300, s0;
	v2 =	vld.idx.msk [tilespmem:v2+s12+$0x0], $0xffff;
	[tilespmem:s20+$0x10800] =	vst v6  }
0x9c: {  	s24 =	sor.u32 $0x300, s4;
	[tilespmem:s25+$0x10800] =	vst v7;
	v4 =	vld.idx.msk [tilespmem:v4+s12+$0x0], $0xffff  }
0x9d: {  	[tilespmem:s24+$0x10800] =	vst v5;
	v1 =	vld.idx.msk [tilespmem:v1+s12+$0x0], $0xffff  }
0x9e: {  	[tilespmem:s28+$0x10800] =	vst v3;
	v5 =	vld.idx.msk [tilespmem:v10+s12+$0x0], $0xffff  }
0x9f: {  	s1 =	sor.u32 $0x380, s1;
	[tilespmem:s26+$0x10800] =	vst v0  }
0xa0: {  	s2 =	sor.u32 $0x380, s2;
	[tilespmem:s1+$0x10800] =	vst v2  }
0xa1: {  	s0 =	sor.u32 $0x380, s0;
	[tilespmem:s2+$0x10800] =	vst v4  }
0xa2: {  	s7 =	sor.u32 $0x380, s4;
	[tilespmem:s0+$0x10800] =	vst v1  }
0xa3: {  	[tilespmem:s7+$0x10800] =	vst v5  }
0xa4: {  	s8 =	sshll.u32 s21, $0xD;
	s0 =	rddreg [dreg:$0x5]  }
0xa5: {  	s9 =	simm.s32 $0x10800;
	s0 =	sadd.s32 s8, s0  }
0xa6: {  	[hbm4b:s0+s5] =	stream.linear.scatter [tilespmem:s9], [sflag:$0x3], $0x4000, $0x38;
	[tilespmem:$0x18800] =	vst v63  }
0xa7: {  	s24 =	simm.s32 $0x0;
	s0 =	simm.s32 @!p0 $0x4  }
0xa8: {  	s10 =	sand.u32 $0x40, s24;
	_ =	swait.ge @!p0 [sflag:s0], $0x4000  }
0xa9: {  	s11 =	sand.u32 $0x780, s24;
	s14 =	sor.u32 $0x30, s10;
	[sflag:s0] =	ssyncset.done @!p0 $0x0  }
0xaa: {  	s15 =	sor.u32 s14, s11;
	[sflag:s0] =	ssyncadd.s32 @!p0 $0xFFFFC000  }
0xab: {  	v0 =	vld [tilespmem:s15+$0x0]  }
0xac: {  	s16 =	sor.u32 $0x10, s10;
	v1 =	vld [tilespmem:s24+$0x0]  }
0xad: {  	s18 =	sor.u32 s16, s11  }
0xae: {  	s17 =	sor.u32 $0x20, s10;
	v2 =	vld [tilespmem:s18+$0x0]  }
0xaf: {  	s2 =	sor.u32 s17, s11  }
0xb0: {  	v3 =	vld [tilespmem:s2+$0x0];
	v4 =	vshll.u32 v0, $0x3  }
0xb1: {  	v5 =	vshll.u32 v1, $0x3;
	v0 =	vand.u32 $0x7F, v0;
	v4 =	vand.u32 $0xFFFFFC00, v4  }
0xb2: {  	v6 =	vand.u32 $0x7F, v1;
	v5 =	vand.u32 $0xFFFFFC00, v5;
	v1 =	vor.u32 v0, v4  }
0xb3: {  	v0 =	vor.u32 v6, v5;
	v6 =	vshll.u32 v2, $0x3;
	v4 =	vadd.s32 $0x4000, v1  }
0xb4: {  	v2 =	vand.u32 $0x7F, v2;
	v5 =	vadd.s32 $0x4000, v0;
	v6 =	vand.u32 $0xFFFFFC00, v6  }
0xb5: {  	v7 =	vshll.u32 v3, $0x3;
	v9 =	vor.u32 v2, v6  }
0xb6: {  	v3 =	vand.u32 $0x7F, v3;
	v7 =	vand.u32 $0xFFFFFC00, v7;
	v2 =	vadd.s32 $0x4000, v9  }
0xb7: {  	v3 =	vor.u32 v3, v7  }
0xb8: {  	v6 =	vadd.s32 $0x4000, v3;
	v4 =	vld.idx.msk [tilespmem:v4+s12+$0x0], $0xffff  }
0xb9: {  	v7 =	vadd.s32 $0x4080, v1;
	v5 =	vld.idx.msk [tilespmem:v5+s12+$0x0], $0xffff  }
0xba: {  	s20 =	sand.u32 $0x3C00, s24;
	v8 =	vadd.s32 $0x4080, v0  }
0xbb: {  	s25 =	sadd.s32 $0x14800, s20;
	v2 =	vld.idx.msk [tilespmem:v2+s12+$0x0], $0xffff  }
0xbc: {  	s26 =	sor.u32 s14, s25;
	v10 =	vadd.s32 $0x4080, v9  }
0xbd: {  	s2 =	sor.u32 s10, s25;
	v6 =	vld.idx.msk [tilespmem:v6+s12+$0x0], $0xffff;
	[tilespmem:s26+$0x0] =	vst v4  }
0xbe: {  	v4 =	vadd.s32 $0x4080, v3;
	[tilespmem:s2+$0x0] =	vst v5;
	v5 =	vld.idx.msk [tilespmem:v7+s12+$0x0], $0xffff  }
0xbf: {  	s14 =	sor.u32 s16, s25;
	v7 =	vld.idx.msk [tilespmem:v8+s12+$0x0], $0xffff;
	v8 =	vadd.s32 $0x4100, v1  }
0xc0: {  	v11 =	vadd.s32 $0x4100, v0;
	[tilespmem:s14+$0x0] =	vst v2  }
0xc1: {  	s28 =	simm.s32 $0x40;
	s16 =	sor.u32 s17, s25;
	v2 =	vld.idx.msk [tilespmem:v10+s12+$0x0], $0xffff  }
0xc2: {  	v12 =	vld [tilespmem:s28+$0x0];
	[tilespmem:s16+$0x0] =	vst v6;
	v6 =	vadd.s32 $0x4100, v9  }
0xc3: {  	s29 =	sand.u32 $0x40, s28;
	v4 =	vld.idx.msk [tilespmem:v4+s12+$0x0], $0xffff;
	[tilespmem:s26+$0x80] =	vst v5  }
0xc4: {  	s3 =	sor.u32 $0x30, s29;
	s17 =	sand.u32 $0x780, s28;
	v5 =	vadd.s32 $0x4100, v3;
	[tilespmem:s2+$0x80] =	vst v7;
	v7 =	vld.idx.msk [tilespmem:v8+s12+$0x0], $0xffff  }
0xc5: {  	s9 =	sor.u32 s3, s17;
	v10 =	vadd.s32 $0x4180, v1;
	v8 =	vld.idx.msk [tilespmem:v11+s12+$0x0], $0xffff  }
0xc6: {  	s10 =	sor.u32 $0x10, s29;
	v16 =	vld [tilespmem:s9+$0x0];
	v11 =	vadd.s32 $0x4180, v0;
	[tilespmem:s14+$0x80] =	vst v2  }
0xc7: {  	s18 =	sor.u32 s10, s17;
	v2 =	vld.idx.msk [tilespmem:v6+s12+$0x0], $0xffff  }
0xc8: {  	v18 =	vld [tilespmem:s18+$0x0];
	v13 =	vadd.s32 $0x4180, v9;
	[tilespmem:s16+$0x80] =	vst v4  }
0xc9: {  	v15 =	vadd.s32 $0x4180, v3;
	v17 =	vadd.s32 $0x4200, v1;
	v19 =	vadd.s32 $0x4200, v0;
	v5 =	vld.idx.msk [tilespmem:v5+s12+$0x0], $0xffff;
	[tilespmem:s26+$0x100] =	vst v7  }
0xca: {  	s7 =	sor.u32 $0x20, s29;
	v14 =	vadd.s32 $0x4200, v9;
	v6 =	vadd.s32 $0x4300, v9;
	v4 =	vshll.u32 v12, $0x3;
	[tilespmem:s2+$0x100] =	vst v8;
	v10 =	vld.idx.msk [tilespmem:v10+s12+$0x0], $0xffff  }
0xcb: {  	s8 =	sor.u32 s7, s17;
	v4 =	vand.u32 $0xFFFFFC00, v4;
	v8 =	vadd.s32 $0x4280, v9;
	v7 =	vand.u32 $0x7F, v12;
	v11 =	vld.idx.msk [tilespmem:v11+s12+$0x0], $0xffff  }
0xcc: {  	v12 =	vld [tilespmem:s8+$0x0];
	[tilespmem:s14+$0x100] =	vst v2;
	v2 =	vor.u32 v7, v4;
	v4 =	vadd.s32 $0x4380, v9;
	v9 =	vshll.u32 v16, $0x3  }
0xcd: {  	v16 =	vand.u32 $0x7F, v16;
	v13 =	vld.idx.msk [tilespmem:v13+s12+$0x0], $0xffff;
	v21 =	vadd.s32 $0x4000, v2;
	v9 =	vand.u32 $0xFFFFFC00, v9  }
0xce: {  	s4 =	simm.s32 $0x1;
	p0 =	por $0x0, $0x0;
	v20 =	vadd.s32 $0x4200, v3;
	[tilespmem:s16+$0x100] =	vst v5;
	v9 =	vor.u32 v16, v9  }
0xcf: {  	s4 =	simm.s32 @!p0 $0x0;
	v25 =	vadd.s32 $0x4280, v1;
	v31 =	vadd.s32 $0x4280, v0;
	v15 =	vld.idx.msk [tilespmem:v15+s12+$0x0], $0xffff;
	v29 =	vadd.s32 $0x4000, v9;
	[tilespmem:s26+$0x180] =	vst v10  }
0xd0: {  	s20 =	sshll.u32 s4, $0x6;
	v7 =	vadd.s32 $0x4280, v3;
	v5 =	vadd.s32 $0x4300, v3;
	v3 =	vadd.s32 $0x4380, v3;
	[tilespmem:s2+$0x180] =	vst v11;
	v10 =	vld.idx.msk [tilespmem:v17+s12+$0x0], $0xffff  }
0xd1: {  	s15 =	sadd.s32 $0x0, s20;
	v11 =	vshll.u32 v12, $0x3;
	v12 =	vand.u32 $0x7F, v12;
	v17 =	vshll.u32 v18, $0x3;
	v27 =	vld.idx.msk [tilespmem:v19+s12+$0x0], $0xffff  }
0xd2: {  	s20 =	simm.s32 $0x80;
	s17 =	sadd.s32 $0x10, s15;
	s31 =	sadd.s32 $0x30, s15;
	v11 =	vand.u32 $0xFFFFFC00, v11;
	v18 =	vand.u32 $0x7F, v18;
	v16 =	vand.u32 $0xFFFFFC00, v17;
	v17 =	vld.idx.msk [tilespmem:v21+s12+$0x0], $0xffff;
	[tilespmem:s14+$0x180] =	vst v13  }
0xd3: {  	s18 =	sadd.s32 $0x20, s15;
	s0 =	sor.u32 $0x300, s15;
	s25 =	sor.u32 $0x200, s31;
	v19 =	vadd.s32 $0x4080, v2;
	v12 =	vor.u32 v12, v11;
	v13 =	vor.u32 v18, v16;
	v23 =	vld.idx.msk [tilespmem:v14+s12+$0x0], $0xffff  }
0xd4: {  	s4 =	sor.u32 $0x280, s18;
	s1 =	sor.u32 $0x300, s17;
	s11 =	sor.u32 $0x300, s18;
	v26 =	vadd.s32 $0x4000, v12;
	v22 =	vadd.s32 $0x4080, v12;
	[tilespmem:s16+$0x180] =	vst v15;
	v28 =	vadd.s32 $0x4000, v13;
	v30 =	vld.idx.msk [tilespmem:v29+s12+$0x0], $0xffff  }
0xd5: {  	s9 =	sor.u32 $0x200, s18;
	s30 =	sor.u32 $0x380, s17;
	s26 =	sor.u32 $0x200, s15;
	v16 =	vadd.s32 $0x4100, v12;
	v14 =	vadd.s32 $0x4180, v12;
	v11 =	vadd.s32 $0x4200, v12;
	v24 =	vld.idx.msk [tilespmem:v20+s12+$0x0], $0xffff;
	[tilespmem:s25+$0x14800] =	vst v10  }
0xd6: {  	s8 =	sor.u32 $0x280, s17;
	s2 =	simm.s32 $0x4;
	s14 =	sor.u32 $0x200, s17;
	v21 =	vadd.s32 $0x4080, v13;
	v18 =	vadd.s32 $0x4100, v13;
	v15 =	vadd.s32 $0x4180, v13;
	[tilespmem:s26+$0x14800] =	vst v27;
	v25 =	vld.idx.msk [tilespmem:v25+s12+$0x0], $0xffff  }
0xd7: {  	s16 =	sor.u32 $0x280, s15;
	v29 =	vadd.s32 $0x4300, v1;
	v20 =	vadd.s32 $0x4280, v13;
	v10 =	vadd.s32 $0x4200, v13;
	s25 =	sor.u32 $0x380, s18;
	s26 =	sor.u32 $0x380, s15;
	v27 =	vld.idx.msk [tilespmem:v31+s12+$0x0], $0xffff  }
.LBB2_5:
0xd8: {  	v31 =	vld [tilespmem:s20+$0x0];
	v32 =	vadd.s32 $0x4300, v13;
	v33 =	vadd.s32 $0x4280, v12;
	v34 =	vadd.s32 $0x4080, v9;
	s24 =	sadd.s32 $0x200, s24  }
0xd9: {  	v13 =	vadd.s32 $0x4380, v13;
	v35 =	vadd.s32 $0x4300, v12;
	v12 =	vadd.s32 $0x4380, v12;
	s15 =	sand.u32 $0x3C00, s24;
	v28 =	vld.idx.msk [tilespmem:v28+s12+$0x0], $0xffff;
	[tilespmem:s14+$0x14800] =	vst v23  }
0xda: {  	s18 =	sadd.s32 $0x14800, s15;
	v23 =	vld.idx.msk [tilespmem:v26+s12+$0x0], $0xffff;
	[tilespmem:s9+$0x14800] =	vst v24;
	s9 =	sor.u32 $0x280, s31  }
0xdb: {  	s14 =	sor.u32 s29, s18;
	s15 =	sor.u32 s10, s18;
	s17 =	sor.u32 s3, s18;
	v24 =	vld.idx.msk [tilespmem:v8+s12+$0x0], $0xffff;
	[tilespmem:s9+$0x14800] =	vst v25;
	v8 =	vmov v20  }
0xdc: {  	s9 =	sor.u32 s7, s18;
	[tilespmem:s17+$0x0] =	vst v30;
	v20 =	vld.idx.msk [tilespmem:v29+s12+$0x0], $0xffff  }
0xdd: {  	[tilespmem:s14+$0x0] =	vst v17;
	v17 =	vld.idx.msk [tilespmem:v34+s12+$0x0], $0xffff  }
0xde: {  	v25 =	vadd.s32 $0x4380, v1;
	v1 =	vmov v9;
	v19 =	vld.idx.msk [tilespmem:v19+s12+$0x0], $0xffff;
	[tilespmem:s16+$0x14800] =	vst v27  }
0xdf: {  	v9 =	vadd.s32 $0x4100, v1;
	[tilespmem:s15+$0x0] =	vst v28;
	v26 =	vld.idx.msk [tilespmem:v7+s12+$0x0], $0xffff;
	v7 =	vmov v33  }
0xe0: {  	v27 =	vadd.s32 $0x4100, v2;
	v21 =	vld.idx.msk [tilespmem:v21+s12+$0x0], $0xffff;
	[tilespmem:s9+$0x0] =	vst v23  }
0xe1: {  	s3 =	sor.u32 $0x300, s31;
	v22 =	vld.idx.msk [tilespmem:v22+s12+$0x0], $0xffff;
	[tilespmem:s8+$0x14800] =	vst v24  }
0xe2: {  	v23 =	vld.idx.msk [tilespmem:v6+s12+$0x0], $0xffff;
	[tilespmem:s3+$0x14800] =	vst v20;
	v6 =	vmov v32  }
0xe3: {  	[tilespmem:s17+$0x80] =	vst v17;
	v17 =	vld.idx.msk [tilespmem:v25+s12+$0x0], $0xffff  }
0xe4: {  	[tilespmem:s14+$0x80] =	vst v19;
	v9 =	vld.idx.msk [tilespmem:v9+s12+$0x0], $0xffff;
	v19 =	vadd.s32 $0x4300, v0  }
0xe5: {  	v20 =	vld.idx.msk [tilespmem:v27+s12+$0x0], $0xffff;
	[tilespmem:s4+$0x14800] =	vst v26  }
0xe6: {  	[tilespmem:s15+$0x80] =	vst v21;
	v21 =	vadd.s32 $0x4180, v1;
	v24 =	vld.idx.msk [tilespmem:v5+s12+$0x0], $0xffff;
	v5 =	vmov v35  }
0xe7: {  	v25 =	vadd.s32 $0x4180, v2;
	v18 =	vld.idx.msk [tilespmem:v18+s12+$0x0], $0xffff;
	[tilespmem:s9+$0x80] =	vst v22  }
0xe8: {  	v16 =	vld.idx.msk [tilespmem:v16+s12+$0x0], $0xffff;
	[tilespmem:s1+$0x14800] =	vst v23;
	s1 =	sor.u32 $0x380, s31  }
0xe9: {  	s28 =	sadd.s32 $0x40, s28;
	v19 =	vld.idx.msk [tilespmem:v19+s12+$0x0], $0xffff;
	[tilespmem:s1+$0x14800] =	vst v17  }
0xea: {  	s2 =	sadd.s32 $0x4, s2;
	s29 =	sand.u32 $0x40, s28;
	[tilespmem:s17+$0x100] =	vst v9;
	v9 =	vld.idx.msk [tilespmem:v4+s12+$0x0], $0xffff;
	v4 =	vmov v13  }
0xeb: {  	p1 =	slt.u32 s2, $0x7C;
	s3 =	sor.u32 $0x30, s29;
	s1 =	sand.u32 $0x780, s28;
	[tilespmem:s14+$0x100] =	vst v20;
	v13 =	vld.idx.msk [tilespmem:v21+s12+$0x0], $0xffff  }
0xec: {  	s10 =	sor.u32 $0x10, s29;
	s7 =	sor.u32 $0x20, s29;
	s4 =	sor.u32 s3, s1;
	v17 =	vld.idx.msk [tilespmem:v25+s12+$0x0], $0xffff;
	[tilespmem:s11+$0x14800] =	vst v24  }
0xed: {  	s8 =	sor.u32 s10, s1;
	s1 =	sor.u32 s7, s1;
	v20 =	vld [tilespmem:s4+$0x0];
	[tilespmem:s15+$0x100] =	vst v18;
	v18 =	vadd.s32 $0x4200, v1  }
0xee: {  	v23 =	vadd.s32 $0x4200, v2;
	v21 =	vshll.u32 v31, $0x3;
	v22 =	vld [tilespmem:s8+$0x0];
	[tilespmem:s9+$0x100] =	vst v16  }
0xef: {  	v21 =	vand.u32 $0xFFFFFC00, v21;
	v16 =	vand.u32 $0x7F, v31;
	v24 =	vld [tilespmem:s1+$0x0];
	[tilespmem:s0+$0x14800] =	vst v19  }
0xf0: {  	v19 =	vadd.s32 $0x4380, v0;
	v0 =	vmov v2;
	v2 =	vor.u32 v16, v21;
	v15 =	vld.idx.msk [tilespmem:v15+s12+$0x0], $0xffff;
	[tilespmem:s30+$0x14800] =	vst v9  }
0xf1: {  	p0 =	por !p0, !p0;
	s0 =	simm.s32 $0x1;
	v16 =	vadd.s32 $0x4000, v2;
	v14 =	vld.idx.msk [tilespmem:v14+s12+$0x0], $0xffff;
	[tilespmem:s17+$0x180] =	vst v13  }
0xf2: {  	s0 =	simm.s32 @!p0 $0x0;
	v9 =	vshll.u32 v20, $0x3;
	[tilespmem:s14+$0x180] =	vst v17;
	v18 =	vld.idx.msk [tilespmem:v18+s12+$0x0], $0xffff  }
0xf3: {  	s0 =	sshll.u32 s0, $0x6;
	v17 =	vand.u32 $0x7F, v20;
	v13 =	vshll.u32 v22, $0x3;
	v9 =	vand.u32 $0xFFFFFC00, v9;
	v20 =	vld.idx.msk [tilespmem:v23+s12+$0x0], $0xffff  }
0xf4: {  	v25 =	vadd.s32 $0x4280, v1;
	s17 =	sadd.s32 s0, s24;
	v21 =	vshll.u32 v24, $0x3;
	v9 =	vor.u32 v17, v9;
	v27 =	vld.idx.msk [tilespmem:v3+s12+$0x0], $0xffff;
	v3 =	vmovc v12  }
0xf5: {  	s31 =	sadd.s32 $0x30, s17;
	v12 =	vand.u32 $0xFFFFFC00, v13;
	v21 =	vand.u32 $0xFFFFFC00, v21;
	v29 =	vadd.s32 $0x4000, v9;
	v31 =	vld.idx.msk [tilespmem:v19+s12+$0x0], $0xffff  }
0xf6: {  	v32 =	vadd.s32 $0x4280, v0;
	s18 =	sadd.s32 $0x20, s17;
	v13 =	vand.u32 $0x7F, v22;
	s0 =	sor.u32 $0x200, s31;
	v17 =	vld.idx.msk [tilespmem:v16+s12+$0x0], $0xffff;
	v16 =	vand.u32 $0x7F, v24;
	[tilespmem:s15+$0x180] =	vst v15;
	s15 =	sadd.s32 $0x10, s17  }
.Ltmp1:
0xf7: {  	v19 =	vadd.s32 $0x4080, v2;
	v13 =	vor.u32 v13, v12;
	v12 =	vor.u32 v16, v21;
	v23 =	vld.idx.msk [tilespmem:v10+s12+$0x0], $0xffff;
	s14 =	sor.u32 $0x200, s15;
	[tilespmem:s9+$0x180] =	vst v14;
	s9 =	sor.u32 $0x200, s18;
	(pc) =	sbr.rel @p1 .LBB2_5-.Ltmp1, $4  }
0xf8: {  	s1 =	sor.u32 $0x200, s17;
	s4 =	sor.u32 $0x280, s18;
	v28 =	vadd.s32 $0x4000, v13;
	v21 =	vadd.s32 $0x4080, v13;
	s8 =	sor.u32 $0x280, s15;
	v26 =	vadd.s32 $0x4000, v12;
	v24 =	vld.idx.msk [tilespmem:v11+s12+$0x0], $0xffff;
	[tilespmem:s0+$0x14800] =	vst v18  }
0xf9: {  	s16 =	sor.u32 $0x280, s17;
	s11 =	sor.u32 $0x300, s18;
	v18 =	vadd.s32 $0x4100, v13;
	v22 =	vadd.s32 $0x4080, v12;
	v16 =	vadd.s32 $0x4100, v12;
	[tilespmem:s1+$0x14800] =	vst v20;
	s1 =	sor.u32 $0x300, s15;
	v25 =	vld.idx.msk [tilespmem:v25+s12+$0x0], $0xffff  }
0xfa: {  	v15 =	vadd.s32 $0x4180, v13;
	v10 =	vadd.s32 $0x4200, v13;
	s30 =	sor.u32 $0x380, s15;
	v14 =	vadd.s32 $0x4180, v12;
	s0 =	sor.u32 $0x300, s17;
	v30 =	vld.idx.msk [tilespmem:v29+s12+$0x0], $0xffff;
	[tilespmem:s25+$0x14800] =	vst v27;
	s25 =	sor.u32 $0x380, s18  }
0xfb: {  	s20 =	sadd.s32 $0x40, s20;
	v11 =	vadd.s32 $0x4200, v12;
	v20 =	vadd.s32 $0x4280, v13;
	v29 =	vadd.s32 $0x4300, v1;
	v27 =	vld.idx.msk [tilespmem:v32+s12+$0x0], $0xffff;
	[tilespmem:s26+$0x14800] =	vst v31;
	s26 =	sor.u32 $0x380, s17  }
0xfc: {  	_ =	sdelay $0x2  }
0xfd: {  	v31 =	vadd.s32 $0x4080, v9;
	s2 =	sadd.s32 $0x200, s24  }
0xfe: {  	v28 =	vld.idx.msk [tilespmem:v28+s12+$0x0], $0xffff;
	s15 =	sand.u32 $0x3C00, s2  }
0xff: {  	v26 =	vld.idx.msk [tilespmem:v26+s12+$0x0], $0xffff;
	s15 =	sadd.s32 $0x14800, s15  }
0x100: {  	[tilespmem:s14+$0x14800] =	vst v23;
	s3 =	sor.u32 s3, s15  }
0x101: {  	s10 =	sor.u32 s10, s15;
	s7 =	sor.u32 s7, s15;
	s15 =	sor.u32 s29, s15;
	[tilespmem:s3+$0x0] =	vst v30  }
0x102: {  	[tilespmem:s15+$0x0] =	vst v17;
	v30 =	vld.idx.msk [tilespmem:v31+s12+$0x0], $0xffff  }
0x103: {  	[tilespmem:s10+$0x0] =	vst v28;
	v19 =	vld.idx.msk [tilespmem:v19+s12+$0x0], $0xffff  }
0x104: {  	v61 =	vadd.s32 $0x4100, v9;
	[tilespmem:s7+$0x0] =	vst v26;
	v21 =	vld.idx.msk [tilespmem:v21+s12+$0x0], $0xffff  }
0x105: {  	s14 =	sor.u32 $0x280, s31;
	[tilespmem:s9+$0x14800] =	vst v24;
	v17 =	vld.idx.msk [tilespmem:v22+s12+$0x0], $0xffff;
	v22 =	vadd.s32 $0x4100, v2  }
0x106: {  	[tilespmem:s14+$0x14800] =	vst v25  }
0x107: {  	v8 =	vld.idx.msk [tilespmem:v8+s12+$0x0], $0xffff;
	[tilespmem:s3+$0x80] =	vst v30  }
0x108: {  	v7 =	vld.idx.msk [tilespmem:v7+s12+$0x0], $0xffff;
	[tilespmem:s15+$0x80] =	vst v19  }
0x109: {  	v23 =	vld.idx.msk [tilespmem:v61+s12+$0x0], $0xffff;
	[tilespmem:s10+$0x80] =	vst v21  }
0x10a: {  	v21 =	vadd.s32 $0x4180, v9;
	[tilespmem:s7+$0x80] =	vst v17;
	v17 =	vld.idx.msk [tilespmem:v22+s12+$0x0], $0xffff  }
0x10b: {  	[tilespmem:s16+$0x14800] =	vst v27;
	v19 =	vadd.s32 $0x4180, v2;
	v18 =	vld.idx.msk [tilespmem:v18+s12+$0x0], $0xffff  }
0x10c: {  	[tilespmem:s8+$0x14800] =	vst v8;
	v16 =	vld.idx.msk [tilespmem:v16+s12+$0x0], $0xffff  }
0x10d: {  	v6 =	vld.idx.msk [tilespmem:v6+s12+$0x0], $0xffff;
	[tilespmem:s4+$0x14800] =	vst v7  }
0x10e: {  	v22 =	vld.idx.msk [tilespmem:v29+s12+$0x0], $0xffff;
	[tilespmem:s3+$0x100] =	vst v23  }
0x10f: {  	v1 =	vadd.s32 $0x4380, v1;
	[tilespmem:s15+$0x100] =	vst v17;
	v21 =	vld.idx.msk [tilespmem:v21+s12+$0x0], $0xffff  }
0x110: {  	[tilespmem:s10+$0x100] =	vst v18;
	v18 =	vadd.s32 $0x4200, v9;
	v8 =	vld.idx.msk [tilespmem:v19+s12+$0x0], $0xffff  }
0x111: {  	[tilespmem:s7+$0x100] =	vst v16;
	v16 =	vadd.s32 $0x4200, v2;
	v15 =	vld.idx.msk [tilespmem:v15+s12+$0x0], $0xffff  }
0x112: {  	s16 =	sor.u32 $0x300, s31;
	[tilespmem:s1+$0x14800] =	vst v6;
	v14 =	vld.idx.msk [tilespmem:v14+s12+$0x0], $0xffff  }
0x113: {  	[tilespmem:s16+$0x14800] =	vst v22  }
0x114: {  	p0 =	por !p0, !p0;
	v1 =	vld.idx.msk [tilespmem:v1+s12+$0x0], $0xffff;
	[tilespmem:s3+$0x180] =	vst v21;
	s3 =	simm.s32 $0x1  }
0x115: {  	[tilespmem:s15+$0x180] =	vst v8;
	v17 =	vld.idx.msk [tilespmem:v18+s12+$0x0], $0xffff;
	s3 =	simm.s32 @!p0 $0x0  }
0x116: {  	[tilespmem:s10+$0x180] =	vst v15;
	v15 =	vadd.s32 $0x4280, v9;
	v7 =	vld.idx.msk [tilespmem:v16+s12+$0x0], $0xffff;
	s3 =	sshll.u32 s3, $0x6  }
0x117: {  	v6 =	vadd.s32 $0x4280, v2;
	[tilespmem:s7+$0x180] =	vst v14;
	v10 =	vld.idx.msk [tilespmem:v10+s12+$0x0], $0xffff;
	s2 =	sadd.s32 s3, s2  }
0x118: {  	s31 =	sor.u32 $0x380, s31;
	v8 =	vld.idx.msk [tilespmem:v11+s12+$0x0], $0xffff;
	s3 =	sadd.s32 $0x30, s2  }
0x119: {  	v5 =	vld.idx.msk [tilespmem:v5+s12+$0x0], $0xffff;
	[tilespmem:s31+$0x14800] =	vst v1;
	v11 =	vadd.s32 $0x4280, v12;
	s17 =	sor.u32 $0x200, s3  }
0x11a: {  	s1 =	sadd.s32 $0x10, s2;
	s24 =	sor.u32 $0x200, s2;
	[tilespmem:s17+$0x14800] =	vst v17  }
0x11b: {  	s7 =	sadd.s32 $0x20, s2;
	s18 =	sor.u32 $0x200, s1;
	[tilespmem:s24+$0x14800] =	vst v7;
	v15 =	vld.idx.msk [tilespmem:v15+s12+$0x0], $0xffff  }
0x11c: {  	v14 =	vadd.s32 $0x4300, v0;
	s20 =	sor.u32 $0x200, s7;
	[tilespmem:s18+$0x14800] =	vst v10;
	v1 =	vld.idx.msk [tilespmem:v6+s12+$0x0], $0xffff  }
0x11d: {  	v10 =	vadd.s32 $0x4300, v9;
	[tilespmem:s20+$0x14800] =	vst v8;
	v8 =	vld.idx.msk [tilespmem:v20+s12+$0x0], $0xffff  }
0x11e: {  	[tilespmem:s11+$0x14800] =	vst v5;
	v5 =	vadd.s32 $0x4300, v2;
	v7 =	vld.idx.msk [tilespmem:v11+s12+$0x0], $0xffff  }
0x11f: {  	s8 =	sor.u32 $0x280, s3;
	v11 =	vadd.s32 $0x4300, v12  }
0x120: {  	v4 =	vld.idx.msk [tilespmem:v4+s12+$0x0], $0xffff;
	v16 =	vadd.s32 $0x4300, v13;
	s11 =	sor.u32 $0x280, s2;
	[tilespmem:s8+$0x14800] =	vst v15  }
0x121: {  	s9 =	sor.u32 $0x280, s1;
	v6 =	vld.idx.msk [tilespmem:v14+s12+$0x0], $0xffff;
	[tilespmem:s11+$0x14800] =	vst v1  }
0x122: {  	v0 =	vadd.s32 $0x4380, v0;
	s10 =	sor.u32 $0x280, s7;
	v10 =	vld.idx.msk [tilespmem:v10+s12+$0x0], $0xffff;
	[tilespmem:s9+$0x14800] =	vst v8  }
0x123: {  	v8 =	vadd.s32 $0x4380, v9;
	[tilespmem:s10+$0x14800] =	vst v7;
	v5 =	vld.idx.msk [tilespmem:v5+s12+$0x0], $0xffff  }
0x124: {  	v2 =	vadd.s32 $0x4380, v2;
	v1 =	vld.idx.msk [tilespmem:v11+s12+$0x0], $0xffff  }
0x125: {  	[tilespmem:s30+$0x14800] =	vst v4;
	v9 =	vld.idx.msk [tilespmem:v16+s12+$0x0], $0xffff;
	v11 =	vadd.s32 $0x4380, v12  }
0x126: {  	v3 =	vld.idx.msk [tilespmem:v3+s12+$0x0], $0xffff;
	s14 =	sor.u32 $0x300, s3;
	[tilespmem:s0+$0x14800] =	vst v6;
	v7 =	vadd.s32 $0x4380, v13  }
0x127: {  	s17 =	sor.u32 $0x300, s2;
	v0 =	vld.idx.msk [tilespmem:v0+s12+$0x0], $0xffff;
	[tilespmem:s14+$0x14800] =	vst v10  }
0x128: {  	s16 =	sor.u32 $0x300, s7;
	[tilespmem:s17+$0x14800] =	vst v5;
	v4 =	vld.idx.msk [tilespmem:v8+s12+$0x0], $0xffff  }
0x129: {  	s15 =	sor.u32 $0x300, s1;
	[tilespmem:s16+$0x14800] =	vst v1;
	v2 =	vld.idx.msk [tilespmem:v2+s12+$0x0], $0xffff  }
0x12a: {  	[tilespmem:s15+$0x14800] =	vst v9;
	v1 =	vld.idx.msk [tilespmem:v11+s12+$0x0], $0xffff  }
0x12b: {  	[tilespmem:s25+$0x14800] =	vst v3;
	v6 =	vld.idx.msk [tilespmem:v7+s12+$0x0], $0xffff  }
0x12c: {  	s18 =	sor.u32 $0x380, s3;
	[tilespmem:s26+$0x14800] =	vst v0  }
0x12d: {  	s25 =	sor.u32 $0x380, s2;
	s20 =	sadd.s32 s23, s6;
	[tilespmem:s18+$0x14800] =	vst v4  }
0x12e: {  	s24 =	sor.u32 $0x380, s7;
	s0 =	sshll.u32 s20, $0x8;
	s26 =	rddreg [dreg:$0x2];
	[tilespmem:s25+$0x14800] =	vst v2  }
0x12f: {  	s1 =	sor.u32 $0x380, s1;
	[tilespmem:s24+$0x14800] =	vst v1;
	s24 =	sadd.s32 s26, s0  }
0x130: {  	s30 =	simm.s32 $0x14800;
	[tilespmem:s1+$0x14800] =	vst v6;
	s0 =	sadd.s32 $0x800, s24  }
0x131: {  	[hbm4b:s0+s5] =	stream.linear.scatter [tilespmem:s30], [sflag:$0x4], $0x4000, $0x38;
	[tilespmem:$0x18800] =	vst v63  }
0x132: {  	p0 =	seq.s32 s21, $0x7;
	s0 =	rddreg [dreg:$0x6]  }
0x133: {  	s0 =	sadd.s32 @!p0 s23, s0  }
0x134: {  	s31 =	simm.s32 $0x2;
	s1 =	rddreg [dreg:$0x0];
	s0 =	sshll.u32 @!p0 s0, $0x8  }
0x135: {  	s2 =	simm.s32 @!p0 $0x800;
	s0 =	sadd.s32 @!p0 s1, s0;
	s1 =	simm.s32 @!p0 $0x0  }
0x136: {  	[tilespmem:s2], [sflag:$0x1] =	stream.linear.gather @!p0 [hbm4b:s0+s1], $0x8000, $0x38;
	[tilespmem:$0x18800] =	vst v63  }
0x137: {  	_ =	swait.ge [sflag:s31], $0x8000  }
0x138: {  	[sflag:s31] =	ssyncset.done $0x0  }
0x139: {  	s3 =	simm.s32 $0x3;
	s1 =	simm.s32 $0x0;
	[sflag:s31] =	ssyncadd.s32 $0xFFFF8000  }
0x13a: {  	s7 =	sand.u32 $0x40, s1;
	_ =	swait.ge [sflag:s3], $0x4000  }
0x13b: {  	s9 =	sand.u32 $0x780, s1;
	s10 =	sor.u32 $0x30, s7;
	[sflag:s3] =	ssyncset.done $0x0  }
0x13c: {  	s11 =	sor.u32 s10, s9;
	[sflag:s3] =	ssyncadd.s32 $0xFFFFC000  }
0x13d: {  	v0 =	vld [tilespmem:s11+$0x0]  }
0x13e: {  	s14 =	sor.u32 $0x10, s7;
	v1 =	vld [tilespmem:s1+$0x0]  }
0x13f: {  	s15 =	sor.u32 $0x20, s7;
	s16 =	sor.u32 s14, s9  }
0x140: {  	s2 =	sor.u32 s15, s9;
	v2 =	vld [tilespmem:s16+$0x0]  }
0x141: {  	v3 =	vld [tilespmem:s2+$0x0]  }
0x142: {  	v4 =	vshll.u32 v0, $0x3  }
0x143: {  	v5 =	vshll.u32 v1, $0x3;
	v0 =	vand.u32 $0x7F, v0;
	v4 =	vand.u32 $0xFFFFFC00, v4  }
0x144: {  	v1 =	vand.u32 $0x7F, v1;
	v6 =	vand.u32 $0xFFFFFC00, v5;
	v5 =	vor.u32 v0, v4  }
0x145: {  	v0 =	vor.u32 v1, v6;
	v1 =	vshll.u32 v2, $0x3  }
0x146: {  	v4 =	vshll.u32 v3, $0x3;
	v2 =	vand.u32 $0x7F, v2;
	v1 =	vand.u32 $0xFFFFFC00, v1  }
0x147: {  	v6 =	vand.u32 $0xFFFFFC00, v4;
	v4 =	vor.u32 v2, v1;
	v1 =	vand.u32 $0x7F, v3  }
0x148: {  	v3 =	vor.u32 v1, v6  }
0x149: {  	v1 =	vld.idx.msk [tilespmem:v5+s13+$0x0], $0xffff  }
0x14a: {  	v6 =	vor.u32 $0x80, v5;
	v2 =	vld.idx.msk [tilespmem:v0+s13+$0x0], $0xffff  }
0x14b: {  	s0 =	sand.u32 $0x3C00, s1;
	v7 =	vor.u32 $0x80, v0  }
0x14c: {  	s0 =	sadd.s32 $0x10800, s0;
	v8 =	vld.idx.msk [tilespmem:v4+s13+$0x0], $0xffff  }
0x14d: {  	s17 =	sor.u32 s10, s0;
	v9 =	vor.u32 $0x80, v4;
	v10 =	vld.idx.msk [tilespmem:v3+s13+$0x0], $0xffff  }
0x14e: {  	s1 =	sor.u32 s7, s0;
	v11 =	vor.u32 $0x80, v3;
	[tilespmem:s17+$0x0] =	vst v1  }
0x14f: {  	[tilespmem:s1+$0x0] =	vst v2;
	v1 =	vld.idx.msk [tilespmem:v6+s13+$0x0], $0xffff  }
0x150: {  	s4 =	sor.u32 s14, s0;
	v2 =	vld.idx.msk [tilespmem:v7+s13+$0x0], $0xffff;
	v6 =	vor.u32 $0x100, v5  }
0x151: {  	s7 =	sor.u32 s15, s0;
	v7 =	vor.u32 $0x100, v0;
	[tilespmem:s4+$0x0] =	vst v8  }
0x152: {  	v8 =	vld.idx.msk [tilespmem:v9+s13+$0x0], $0xffff;
	[tilespmem:s7+$0x0] =	vst v10  }
0x153: {  	v9 =	vor.u32 $0x100, v4;
	v10 =	vld.idx.msk [tilespmem:v11+s13+$0x0], $0xffff  }
0x154: {  	v11 =	vor.u32 $0x100, v3;
	[tilespmem:s17+$0x80] =	vst v1  }
0x155: {  	[tilespmem:s1+$0x80] =	vst v2;
	v1 =	vld.idx.msk [tilespmem:v6+s13+$0x0], $0xffff  }
0x156: {  	v2 =	vld.idx.msk [tilespmem:v7+s13+$0x0], $0xffff;
	v6 =	vor.u32 $0x180, v5  }
0x157: {  	v7 =	vor.u32 $0x180, v0;
	[tilespmem:s4+$0x80] =	vst v8  }
0x158: {  	v8 =	vld.idx.msk [tilespmem:v9+s13+$0x0], $0xffff;
	[tilespmem:s7+$0x80] =	vst v10  }
0x159: {  	s23 =	simm.s32 $0x40;
	v9 =	vor.u32 $0x180, v4;
	v10 =	vld.idx.msk [tilespmem:v11+s13+$0x0], $0xffff  }
0x15a: {  	s2 =	sand.u32 $0x40, s23;
	v11 =	vld [tilespmem:s23+$0x0];
	[tilespmem:s17+$0x100] =	vst v1  }
0x15b: {  	s18 =	sand.u32 $0x780, s23;
	s20 =	sor.u32 $0x30, s2;
	[tilespmem:s1+$0x100] =	vst v2;
	v1 =	vld.idx.msk [tilespmem:v6+s13+$0x0], $0xffff  }
0x15c: {  	s25 =	sor.u32 s20, s18;
	v2 =	vor.u32 $0x180, v3;
	v6 =	vld.idx.msk [tilespmem:v7+s13+$0x0], $0xffff  }
0x15d: {  	s26 =	sor.u32 $0x10, s2;
	v7 =	vor.u32 $0x200, v5;
	[tilespmem:s4+$0x100] =	vst v8;
	v8 =	vld [tilespmem:s25+$0x0]  }
0x15e: {  	s30 =	sor.u32 $0x20, s2;
	s31 =	sor.u32 s26, s18;
	v9 =	vld.idx.msk [tilespmem:v9+s13+$0x0], $0xffff  }
0x15f: {  	s10 =	sor.u32 s30, s18;
	v13 =	vld [tilespmem:s31+$0x0];
	v12 =	vor.u32 $0x200, v4;
	v14 =	vshll.u32 v11, $0x3  }
0x160: {  	v15 =	vld [tilespmem:s10+$0x0];
	[tilespmem:s7+$0x100] =	vst v10;
	v10 =	vor.u32 $0x200, v0;
	v11 =	vand.u32 $0x7F, v11;
	v14 =	vand.u32 $0xFFFFFC00, v14  }
0x161: {  	p0 =	por $0x0, $0x0;
	s9 =	simm.s32 $0x1;
	v16 =	vld.idx.msk [tilespmem:v2+s13+$0x0], $0xffff;
	[tilespmem:s17+$0x180] =	vst v1;
	v1 =	vor.u32 v11, v14  }
0x162: {  	s9 =	simm.s32 @!p0 $0x0;
	v11 =	vor.u32 $0x200, v3;
	v7 =	vld.idx.msk [tilespmem:v7+s13+$0x0], $0xffff;
	v2 =	vshll.u32 v8, $0x3  }
0x163: {  	s9 =	sshll.u32 s9, $0x6;
	v8 =	vand.u32 $0x7F, v8;
	[tilespmem:s4+$0x180] =	vst v9;
	v2 =	vand.u32 $0xFFFFFC00, v2;
	v9 =	vor.u32 $0x280, v5  }
0x164: {  	s3 =	sadd.s32 $0x0, s9;
	v14 =	vor.u32 $0x280, v4;
	[tilespmem:s1+$0x180] =	vst v6;
	v6 =	vld.idx.msk [tilespmem:v12+s13+$0x0], $0xffff;
	v12 =	vshll.u32 v13, $0x3;
	v2 =	vor.u32 v8, v2  }
0x165: {  	s4 =	sadd.s32 $0x30, s3;
	v8 =	vld.idx.msk [tilespmem:v10+s13+$0x0], $0xffff;
	v10 =	vshll.u32 v15, $0x3;
	v13 =	vand.u32 $0x7F, v13;
	v12 =	vand.u32 $0xFFFFFC00, v12  }
0x166: {  	s10 =	sor.u32 $0x200, s4;
	v10 =	vand.u32 $0xFFFFFC00, v10;
	[tilespmem:s7+$0x180] =	vst v16;
	v17 =	vld.idx.msk [tilespmem:v1+s13+$0x0], $0xffff;
	v21 =	vor.u32 v13, v12;
	v12 =	vand.u32 $0x7F, v15  }
0x167: {  	s7 =	sadd.s32 $0x10, s3;
	v11 =	vld.idx.msk [tilespmem:v11+s13+$0x0], $0xffff;
	v10 =	vor.u32 v12, v10;
	[tilespmem:s10+$0x10800] =	vst v7  }
0x168: {  	s11 =	sor.u32 $0x200, s7;
	v7 =	vor.u32 $0x280, v0;
	v9 =	vld.idx.msk [tilespmem:v9+s13+$0x0], $0xffff  }
0x169: {  	s14 =	sor.u32 $0x200, s3;
	s25 =	simm.s32 $0x200;
	v12 =	vor.u32 $0x280, v3;
	v13 =	vld.idx.msk [tilespmem:v2+s13+$0x0], $0xffff;
	[tilespmem:s11+$0x10800] =	vst v6  }
0x16a: {  	s9 =	sadd.s32 $0x20, s3;
	s16 =	sand.u32 $0x3C00, s25;
	[tilespmem:s14+$0x10800] =	vst v8;
	v8 =	vor.u32 $0x80, v1;
	v6 =	vld.idx.msk [tilespmem:v14+s13+$0x0], $0xffff  }
0x16b: {  	s15 =	sor.u32 $0x200, s9;
	s10 =	sadd.s32 $0x10800, s16;
	v14 =	vor.u32 $0x300, v5;
	v15 =	vld.idx.msk [tilespmem:v21+s13+$0x0], $0xffff  }
0x16c: {  	v16 =	vor.u32 $0x80, v2;
	s11 =	sor.u32 s2, s10;
	[tilespmem:s15+$0x10800] =	vst v11;
	v18 =	vld.idx.msk [tilespmem:v10+s13+$0x0], $0xffff  }
0x16d: {  	s17 =	sor.u32 $0x280, s4;
	v19 =	vor.u32 $0x80, v21;
	[tilespmem:s11+$0x0] =	vst v17;
	v7 =	vld.idx.msk [tilespmem:v7+s13+$0x0], $0xffff  }
0x16e: {  	s1 =	sor.u32 s20, s10;
	v11 =	vor.u32 $0x80, v10;
	v12 =	vld.idx.msk [tilespmem:v12+s13+$0x0], $0xffff;
	[tilespmem:s17+$0x10800] =	vst v9  }
0x16f: {  	s18 =	sor.u32 $0x280, s7;
	v9 =	vor.u32 $0x300, v4;
	[tilespmem:s1+$0x0] =	vst v13;
	v8 =	vld.idx.msk [tilespmem:v8+s13+$0x0], $0xffff  }
0x170: {  	s29 =	sor.u32 s26, s10;
	v13 =	vld.idx.msk [tilespmem:v14+s13+$0x0], $0xffff;
	v14 =	vor.u32 $0x300, v3;
	[tilespmem:s18+$0x10800] =	vst v6  }
0x171: {  	s2 =	sor.u32 s30, s10;
	v5 =	vor.u32 $0x380, v5;
	v16 =	vld.idx.msk [tilespmem:v16+s13+$0x0], $0xffff;
	[tilespmem:s29+$0x0] =	vst v15  }
0x172: {  	s20 =	sor.u32 $0x280, s9;
	v17 =	vor.u32 $0x100, v2;
	v15 =	vld.idx.msk [tilespmem:v19+s13+$0x0], $0xffff;
	[tilespmem:s2+$0x0] =	vst v18  }
0x173: {  	v18 =	vor.u32 $0x100, v1;
	[tilespmem:s20+$0x10800] =	vst v12;
	v20 =	vld.idx.msk [tilespmem:v11+s13+$0x0], $0xffff  }
0x174: {  	s26 =	sor.u32 $0x300, s4;
	v6 =	vor.u32 $0x100, v21;
	v22 =	vld.idx.msk [tilespmem:v9+s13+$0x0], $0xffff;
	[tilespmem:s11+$0x80] =	vst v8  }
0x175: {  	v23 =	vor.u32 $0x100, v10;
	v14 =	vld.idx.msk [tilespmem:v14+s13+$0x0], $0xffff;
	[tilespmem:s26+$0x10800] =	vst v13  }
0x176: {  	[tilespmem:s1+$0x80] =	vst v16;
	v16 =	vor.u32 $0x300, v0;
	v62 =	vld.idx.msk [tilespmem:v5+s13+$0x0], $0xffff  }
0x177: {  	v63 =	vor.u32 $0x380, v4;
	v19 =	vld.idx.msk [tilespmem:v17+s13+$0x0], $0xffff;
	[tilespmem:s29+$0x80] =	vst v15  }
0x178: {  	s31 =	sor.u32 $0x300, s7;
	v4 =	vor.u32 $0x380, v21;
	v17 =	vld.idx.msk [tilespmem:v18+s13+$0x0], $0xffff;
	[tilespmem:s2+$0x80] =	vst v20  }
0x179: {  	s30 =	sor.u32 $0x280, s3;
	v11 =	vor.u32 $0x200, v21;
	v8 =	vor.u32 $0x280, v21;
	v18 =	vld.idx.msk [tilespmem:v6+s13+$0x0], $0xffff;
	[tilespmem:s31+$0x10800] =	vst v22;
	v22 =	vor.u32 $0x180, v2  }
0x17a: {  	s0 =	simm.s32 $0x4;
	s28 =	sor.u32 $0x380, s9;
	[tilespmem:s30+$0x10800] =	vst v7;
	v13 =	vor.u32 $0x180, v21;
	v6 =	vor.u32 $0x300, v21;
	v21 =	vor.u32 $0x180, v1;
	v20 =	vld.idx.msk [tilespmem:v23+s13+$0x0], $0xffff  }
0x17b: {  	s7 =	sor.u32 $0x380, s7;
	s4 =	sor.u32 $0x380, s4;
	s10 =	sor.u32 $0x300, s3;
	v3 =	vor.u32 $0x380, v3;
	v12 =	vor.u32 $0x180, v10;
	v7 =	vor.u32 $0x280, v10;
	v15 =	vld.idx.msk [tilespmem:v16+s13+$0x0], $0xffff  }
0x17c: {  	s20 =	sor.u32 $0x300, s9;
	v9 =	vor.u32 $0x200, v10;
	s26 =	sor.u32 $0x380, s3;
	s3 =	simm.s32 $0x80;
	v5 =	vor.u32 $0x300, v10;
	v10 =	vor.u32 $0x380, v10;
	v16 =	vld.idx.msk [tilespmem:v63+s13+$0x0], $0xffff;
	[tilespmem:s4+$0x10800] =	vst v62  }
.LBB2_7:
0x17d: {  	v23 =	vld [tilespmem:s3+$0x0];
	[tilespmem:s1+$0x100] =	vst v19;
	s23 =	sadd.s32 $0x40, s23  }
0x17e: {  	s0 =	sadd.s32 $0x4, s0;
	s4 =	sand.u32 $0x40, s23;
	[tilespmem:s11+$0x100] =	vst v17;
	v17 =	vld.idx.msk [tilespmem:v22+s13+$0x0], $0xffff  }
0x17f: {  	s14 =	sand.u32 $0x780, s23;
	p1 =	slt.u32 s0, $0x7C;
	s8 =	sor.u32 $0x30, s4;
	v19 =	vld.idx.msk [tilespmem:v21+s13+$0x0], $0xffff;
	[tilespmem:s29+$0x100] =	vst v18  }
0x180: {  	s15 =	sor.u32 $0x10, s4;
	s9 =	sor.u32 $0x20, s4;
	v18 =	vor.u32 $0x200, v2;
	s16 =	sor.u32 s8, s14;
	v13 =	vld.idx.msk [tilespmem:v13+s13+$0x0], $0xffff;
	[tilespmem:s2+$0x100] =	vst v20  }
0x181: {  	v21 =	vor.u32 $0x200, v1;
	s17 =	sor.u32 s15, s14;
	s14 =	sor.u32 s9, s14;
	v20 =	vld [tilespmem:s16+$0x0];
	[tilespmem:s20+$0x10800] =	vst v14  }
0x182: {  	v14 =	vld [tilespmem:s17+$0x0];
	[tilespmem:s10+$0x10800] =	vst v15  }
0x183: {  	v15 =	vshll.u32 v23, $0x3;
	v22 =	vld [tilespmem:s14+$0x0];
	[tilespmem:s7+$0x10800] =	vst v16  }
0x184: {  	v16 =	vand.u32 $0x7F, v23;
	v15 =	vand.u32 $0xFFFFFC00, v15;
	v12 =	vld.idx.msk [tilespmem:v12+s13+$0x0], $0xffff;
	[tilespmem:s1+$0x180] =	vst v17;
	v17 =	vor.u32 $0x380, v0;
	v0 =	vmovc v1  }
0x185: {  	p0 =	por !p0, !p0;
	v1 =	vor.u32 v16, v15;
	s1 =	simm.s32 $0x1;
	[tilespmem:s11+$0x180] =	vst v19;
	v15 =	vld.idx.msk [tilespmem:v18+s13+$0x0], $0xffff  }
0x186: {  	s1 =	simm.s32 @!p0 $0x0;
	v16 =	vshll.u32 v20, $0x3;
	v18 =	vld.idx.msk [tilespmem:v21+s13+$0x0], $0xffff;
	[tilespmem:s29+$0x180] =	vst v13  }
0x187: {  	v13 =	vand.u32 $0x7F, v20;
	s1 =	sshll.u32 s1, $0x6;
	v16 =	vand.u32 $0xFFFFFC00, v16;
	v19 =	vld.idx.msk [tilespmem:v11+s13+$0x0], $0xffff;
	v11 =	vor.u32 $0x280, v2  }
0x188: {  	v20 =	vshll.u32 v14, $0x3;
	s1 =	sadd.s32 s1, s25;
	v21 =	vshll.u32 v22, $0x3;
	v16 =	vor.u32 v13, v16;
	v23 =	vld.idx.msk [tilespmem:v3+s13+$0x0], $0xffff;
	v3 =	vmovc v10  }
0x189: {  	v10 =	vand.u32 $0x7F, v14;
	v13 =	vand.u32 $0xFFFFFC00, v20;
	s7 =	sadd.s32 $0x10, s1;
	s11 =	sadd.s32 $0x20, s1;
	s30 =	sadd.s32 $0x30, s1;
	v14 =	vand.u32 $0xFFFFFC00, v21;
	v17 =	vld.idx.msk [tilespmem:v17+s13+$0x0], $0xffff  }
0x18a: {  	v10 =	vor.u32 v10, v13;
	v13 =	vand.u32 $0x7F, v22;
	v21 =	vor.u32 $0x280, v0;
	s18 =	sor.u32 $0x200, s7;
	s10 =	sor.u32 $0x200, s30;
	v20 =	vld.idx.msk [tilespmem:v1+s13+$0x0], $0xffff;
	[tilespmem:s2+$0x180] =	vst v12;
	s2 =	sor.u32 $0x200, s11  }
0x18b: {  	s14 =	sor.u32 $0x200, s1;
	s31 =	sor.u32 $0x280, s7;
	s17 =	sor.u32 $0x280, s11;
	v22 =	vor.u32 $0x80, v10;
	v24 =	vor.u32 $0x100, v10;
	v14 =	vor.u32 v13, v14;
	v25 =	vld.idx.msk [tilespmem:v9+s13+$0x0], $0xffff;
	[tilespmem:s10+$0x10800] =	vst v15  }
0x18c: {  	s16 =	sor.u32 $0x280, s1;
	s20 =	sor.u32 $0x300, s11;
	v13 =	vor.u32 $0x180, v10;
	v15 =	vor.u32 $0x80, v14;
	v26 =	vor.u32 $0x100, v14;
	[tilespmem:s14+$0x10800] =	vst v18;
	s14 =	sor.u32 $0x300, s7;
	v18 =	vld.idx.msk [tilespmem:v11+s13+$0x0], $0xffff  }
0x18d: {  	s11 =	sor.u32 $0x380, s11;
	v12 =	vor.u32 $0x180, v14;
	v9 =	vor.u32 $0x200, v14;
	s10 =	sor.u32 $0x300, s1;
	v11 =	vor.u32 $0x200, v10;
	s7 =	sor.u32 $0x380, s7;
	v27 =	vld.idx.msk [tilespmem:v16+s13+$0x0], $0xffff;
	[tilespmem:s18+$0x10800] =	vst v19  }
0x18e: {  	v29 =	vor.u32 $0x300, v2;
	s1 =	sor.u32 $0x380, s1;
	v19 =	vor.u32 $0x280, v14;
	v28 =	vld.idx.msk [tilespmem:v8+s13+$0x0], $0xffff;
	v8 =	vor.u32 $0x280, v10;
	[tilespmem:s28+$0x10800] =	vst v23;
	s28 =	smov.u32 s11  }
0x18f: {  	s25 =	sadd.s32 $0x200, s25;
	v32 =	vor.u32 $0x80, v16;
	v30 =	vor.u32 $0x300, v10;
	v31 =	vor.u32 $0x300, v14;
	v23 =	vld.idx.msk [tilespmem:v10+s13+$0x0], $0xffff;
	[tilespmem:s26+$0x10800] =	vst v17;
	s26 =	smov.u32 s1  }
0x190: {  	v33 =	vor.u32 $0x380, v10;
	s1 =	sand.u32 $0x3C00, s25;
	v17 =	vor.u32 $0x80, v1;
	v10 =	vor.u32 $0x380, v14;
	v34 =	vld.idx.msk [tilespmem:v14+s13+$0x0], $0xffff  }
0x191: {  	s18 =	sadd.s32 $0x10800, s1;
	v35 =	vld.idx.msk [tilespmem:v21+s13+$0x0], $0xffff;
	[tilespmem:s2+$0x10800] =	vst v25;
	s2 =	sor.u32 $0x280, s30  }
0x192: {  	s11 =	sor.u32 s4, s18;
	s29 =	sor.u32 s15, s18;
	s1 =	sor.u32 s8, s18;
	v14 =	vld.idx.msk [tilespmem:v7+s13+$0x0], $0xffff;
	[tilespmem:s2+$0x10800] =	vst v18;
	v7 =	vmov v19  }
0x193: {  	s2 =	sor.u32 s9, s18;
	[tilespmem:s1+$0x0] =	vst v27;
	v18 =	vld.idx.msk [tilespmem:v29+s13+$0x0], $0xffff  }
0x194: {  	[tilespmem:s11+$0x0] =	vst v20;
	v19 =	vld.idx.msk [tilespmem:v32+s13+$0x0], $0xffff  }
0x195: {  	v20 =	vor.u32 $0x380, v2;
	v2 =	vmov v16;
	v17 =	vld.idx.msk [tilespmem:v17+s13+$0x0], $0xffff;
	[tilespmem:s29+$0x0] =	vst v23  }
0x196: {  	v21 =	vor.u32 $0x100, v2;
	v16 =	vld.idx.msk [tilespmem:v22+s13+$0x0], $0xffff;
	[tilespmem:s2+$0x0] =	vst v34  }
0x197: {  	v22 =	vor.u32 $0x100, v1;
	v15 =	vld.idx.msk [tilespmem:v15+s13+$0x0], $0xffff;
	[tilespmem:s31+$0x10800] =	vst v28  }
0x198: {  	s4 =	sor.u32 $0x300, s30;
	v23 =	vld.idx.msk [tilespmem:v6+s13+$0x0], $0xffff;
	[tilespmem:s17+$0x10800] =	vst v14;
	v6 =	vmov v30  }
0x199: {  	v14 =	vld.idx.msk [tilespmem:v5+s13+$0x0], $0xffff;
	[tilespmem:s4+$0x10800] =	vst v18;
	v5 =	vmov v31  }
0x19a: {  	v25 =	vor.u32 $0x300, v0;
	[tilespmem:s1+$0x80] =	vst v19;
	v27 =	vld.idx.msk [tilespmem:v20+s13+$0x0], $0xffff  }
0x19b: {  	[tilespmem:s11+$0x80] =	vst v17;
	v19 =	vld.idx.msk [tilespmem:v21+s13+$0x0], $0xffff  }
.Ltmp2:
0x19c: {  	v17 =	vld.idx.msk [tilespmem:v22+s13+$0x0], $0xffff;
	[tilespmem:s29+$0x80] =	vst v16;
	(pc) =	sbr.rel @p1 .LBB2_7-.Ltmp2, $4  }
0x19d: {  	v22 =	vor.u32 $0x180, v2;
	v18 =	vld.idx.msk [tilespmem:v24+s13+$0x0], $0xffff;
	[tilespmem:s2+$0x80] =	vst v15  }
0x19e: {  	v21 =	vor.u32 $0x180, v1;
	v20 =	vld.idx.msk [tilespmem:v26+s13+$0x0], $0xffff;
	[tilespmem:s16+$0x10800] =	vst v35  }
0x19f: {  	s4 =	sor.u32 $0x380, s30;
	v15 =	vld.idx.msk [tilespmem:v25+s13+$0x0], $0xffff;
	[tilespmem:s14+$0x10800] =	vst v23  }
0x1a0: {  	s3 =	sadd.s32 $0x40, s3;
	v16 =	vld.idx.msk [tilespmem:v4+s13+$0x0], $0xffff;
	[tilespmem:s4+$0x10800] =	vst v27;
	v4 =	vmov v33  }
0x1a1: {  	_ =	sdelay $0x2  }
0x1a2: {  	[tilespmem:s1+$0x100] =	vst v19  }
0x1a3: {  	v19 =	vld.idx.msk [tilespmem:v22+s13+$0x0], $0xffff;
	[tilespmem:s29+$0x100] =	vst v18  }
0x1a4: {  	[tilespmem:s11+$0x100] =	vst v17;
	v18 =	vor.u32 $0x200, v2;
	v13 =	vld.idx.msk [tilespmem:v13+s13+$0x0], $0xffff  }
0x1a5: {  	v17 =	vld.idx.msk [tilespmem:v21+s13+$0x0], $0xffff;
	[tilespmem:s2+$0x100] =	vst v20  }
0x1a6: {  	v20 =	vor.u32 $0x200, v1;
	v12 =	vld.idx.msk [tilespmem:v12+s13+$0x0], $0xffff;
	_ =	sdelay $0x1  }
0x1a7: {  	p0 =	por !p0, !p0;
	s0 =	simm.s32 $0x1;
	[tilespmem:s1+$0x180] =	vst v19  }
0x1a8: {  	s0 =	simm.s32 @!p0 $0x0;
	v18 =	vld.idx.msk [tilespmem:v18+s13+$0x0], $0xffff;
	[tilespmem:s29+$0x180] =	vst v13  }
0x1a9: {  	s0 =	sshll.u32 s0, $0x6;
	[tilespmem:s11+$0x180] =	vst v17;
	v13 =	vor.u32 $0x280, v2;
	v11 =	vld.idx.msk [tilespmem:v11+s13+$0x0], $0xffff  }
0x1aa: {  	s0 =	sadd.s32 s0, s25;
	[tilespmem:s2+$0x180] =	vst v12;
	v12 =	vld.idx.msk [tilespmem:v20+s13+$0x0], $0xffff  }
0x1ab: {  	s1 =	sadd.s32 $0x30, s0;
	v17 =	vor.u32 $0x280, v1;
	v9 =	vld.idx.msk [tilespmem:v9+s13+$0x0], $0xffff  }
0x1ac: {  	s3 =	sor.u32 $0x200, s1;
	s2 =	sadd.s32 $0x10, s0  }
0x1ad: {  	s8 =	sor.u32 $0x200, s2;
	[tilespmem:s3+$0x10800] =	vst v18  }
0x1ae: {  	s4 =	sadd.s32 $0x20, s0;
	s18 =	sor.u32 $0x200, s0;
	v13 =	vld.idx.msk [tilespmem:v13+s13+$0x0], $0xffff;
	[tilespmem:s8+$0x10800] =	vst v11  }
0x1af: {  	s17 =	sor.u32 $0x200, s4;
	v11 =	vor.u32 $0x300, v2;
	[tilespmem:s18+$0x10800] =	vst v12;
	v8 =	vld.idx.msk [tilespmem:v8+s13+$0x0], $0xffff  }
0x1b0: {  	[tilespmem:s17+$0x10800] =	vst v9;
	v9 =	vld.idx.msk [tilespmem:v17+s13+$0x0], $0xffff  }
0x1b1: {  	v12 =	vor.u32 $0x300, v1;
	v7 =	vld.idx.msk [tilespmem:v7+s13+$0x0], $0xffff  }
0x1b2: {  	[tilespmem:s20+$0x10800] =	vst v14;
	s20 =	sor.u32 $0x280, s1  }
0x1b3: {  	s23 =	sor.u32 $0x280, s2;
	[tilespmem:s20+$0x10800] =	vst v13  }
0x1b4: {  	v0 =	vor.u32 $0x380, v0;
	s9 =	sor.u32 $0x280, s0;
	v11 =	vld.idx.msk [tilespmem:v11+s13+$0x0], $0xffff;
	[tilespmem:s23+$0x10800] =	vst v8  }
0x1b5: {  	s25 =	sor.u32 $0x280, s4;
	v2 =	vor.u32 $0x380, v2;
	[tilespmem:s9+$0x10800] =	vst v9;
	v6 =	vld.idx.msk [tilespmem:v6+s13+$0x0], $0xffff  }
0x1b6: {  	[tilespmem:s25+$0x10800] =	vst v7;
	v7 =	vld.idx.msk [tilespmem:v12+s13+$0x0], $0xffff  }
0x1b7: {  	[tilespmem:s10+$0x10800] =	vst v15;
	v1 =	vor.u32 $0x380, v1;
	v5 =	vld.idx.msk [tilespmem:v5+s13+$0x0], $0xffff  }
0x1b8: {  	v3 =	vld.idx.msk [tilespmem:v3+s13+$0x0], $0xffff;
	[tilespmem:s7+$0x10800] =	vst v16;
	s11 =	sor.u32 $0x300, s1  }
0x1b9: {  	v0 =	vld.idx.msk [tilespmem:v0+s13+$0x0], $0xffff;
	s14 =	sor.u32 $0x300, s2;
	[tilespmem:s11+$0x10800] =	vst v11  }
0x1ba: {  	s16 =	sor.u32 $0x300, s0;
	v2 =	vld.idx.msk [tilespmem:v2+s13+$0x0], $0xffff;
	[tilespmem:s14+$0x10800] =	vst v6  }
0x1bb: {  	s15 =	sor.u32 $0x300, s4;
	[tilespmem:s16+$0x10800] =	vst v7;
	v4 =	vld.idx.msk [tilespmem:v4+s13+$0x0], $0xffff  }
0x1bc: {  	[tilespmem:s15+$0x10800] =	vst v5;
	v1 =	vld.idx.msk [tilespmem:v1+s13+$0x0], $0xffff  }
0x1bd: {  	[tilespmem:s28+$0x10800] =	vst v3;
	v5 =	vld.idx.msk [tilespmem:v10+s13+$0x0], $0xffff  }
0x1be: {  	s1 =	sor.u32 $0x380, s1;
	[tilespmem:s26+$0x10800] =	vst v0  }
0x1bf: {  	s2 =	sor.u32 $0x380, s2;
	[tilespmem:s1+$0x10800] =	vst v2  }
0x1c0: {  	s0 =	sor.u32 $0x380, s0;
	[tilespmem:s2+$0x10800] =	vst v4  }
0x1c1: {  	s18 =	rddreg [dreg:$0x2];
	s17 =	sor.u32 $0x380, s4;
	[tilespmem:s0+$0x10800] =	vst v1  }
0x1c2: {  	s20 =	simm.s32 $0x10800;
	s0 =	sadd.s32 s18, s22;
	s22 =	simm.s32 $0x0;
	[tilespmem:s17+$0x10800] =	vst v5  }
0x1c3: {  	[hbm4b:s0+s22] =	stream.linear.scatter [tilespmem:s20], [sflag:$0x3], $0x4000, $0x38;
	[tilespmem:$0x18800] =	vst v63  }
0x1c4: {  	s23 =	sand.u32 $0x40, s22;
	_ =	swait.ge [sflag:s19], $0x4000  }
0x1c5: {  	s25 =	sand.u32 $0x780, s22;
	s26 =	sor.u32 $0x30, s23;
	[sflag:s19] =	ssyncset.done $0x0  }
0x1c6: {  	s7 =	sor.u32 s26, s25;
	[sflag:s19] =	ssyncadd.s32 $0xFFFFC000  }
0x1c7: {  	v0 =	vld [tilespmem:s7+$0x0]  }
0x1c8: {  	s8 =	sor.u32 $0x10, s23;
	v1 =	vld [tilespmem:s22+$0x0]  }
0x1c9: {  	s10 =	sor.u32 s8, s25  }
0x1ca: {  	s9 =	sor.u32 $0x20, s23;
	v2 =	vld [tilespmem:s10+$0x0]  }
0x1cb: {  	s1 =	sor.u32 s9, s25  }
0x1cc: {  	v3 =	vld [tilespmem:s1+$0x0];
	v4 =	vshll.u32 v0, $0x3  }
0x1cd: {  	v5 =	vshll.u32 v1, $0x3;
	v0 =	vand.u32 $0x7F, v0;
	v4 =	vand.u32 $0xFFFFFC00, v4  }
0x1ce: {  	v6 =	vand.u32 $0x7F, v1;
	v5 =	vand.u32 $0xFFFFFC00, v5;
	v1 =	vor.u32 v0, v4  }
0x1cf: {  	v0 =	vor.u32 v6, v5;
	v6 =	vshll.u32 v2, $0x3;
	v4 =	vadd.s32 $0x4000, v1  }
0x1d0: {  	v2 =	vand.u32 $0x7F, v2;
	v5 =	vadd.s32 $0x4000, v0;
	v6 =	vand.u32 $0xFFFFFC00, v6  }
0x1d1: {  	v7 =	vshll.u32 v3, $0x3;
	v9 =	vor.u32 v2, v6  }
0x1d2: {  	v3 =	vand.u32 $0x7F, v3;
	v7 =	vand.u32 $0xFFFFFC00, v7;
	v2 =	vadd.s32 $0x4000, v9  }
0x1d3: {  	v3 =	vor.u32 v3, v7  }
0x1d4: {  	v6 =	vadd.s32 $0x4000, v3;
	v4 =	vld.idx.msk [tilespmem:v4+s13+$0x0], $0xffff  }
0x1d5: {  	v7 =	vadd.s32 $0x4080, v1;
	v5 =	vld.idx.msk [tilespmem:v5+s13+$0x0], $0xffff  }
0x1d6: {  	s11 =	sand.u32 $0x3C00, s22;
	v8 =	vadd.s32 $0x4080, v0  }
0x1d7: {  	s1 =	sadd.s32 $0x14800, s11;
	v2 =	vld.idx.msk [tilespmem:v2+s13+$0x0], $0xffff  }
0x1d8: {  	s14 =	sor.u32 s26, s1;
	v10 =	vadd.s32 $0x4080, v9  }
0x1d9: {  	s15 =	sor.u32 s23, s1;
	v6 =	vld.idx.msk [tilespmem:v6+s13+$0x0], $0xffff;
	[tilespmem:s14+$0x0] =	vst v4  }
0x1da: {  	v4 =	vadd.s32 $0x4080, v3;
	[tilespmem:s15+$0x0] =	vst v5;
	v5 =	vld.idx.msk [tilespmem:v7+s13+$0x0], $0xffff  }
0x1db: {  	s16 =	sor.u32 s8, s1;
	v7 =	vld.idx.msk [tilespmem:v8+s13+$0x0], $0xffff;
	v8 =	vadd.s32 $0x4100, v1  }
0x1dc: {  	v11 =	vadd.s32 $0x4100, v0;
	[tilespmem:s16+$0x0] =	vst v2  }
0x1dd: {  	s1 =	sor.u32 s9, s1;
	s26 =	simm.s32 $0x40;
	v2 =	vld.idx.msk [tilespmem:v10+s13+$0x0], $0xffff  }
0x1de: {  	v12 =	vld [tilespmem:s26+$0x0];
	[tilespmem:s1+$0x0] =	vst v6;
	v6 =	vadd.s32 $0x4100, v9  }
0x1df: {  	s28 =	sand.u32 $0x40, s26;
	v4 =	vld.idx.msk [tilespmem:v4+s13+$0x0], $0xffff;
	[tilespmem:s14+$0x80] =	vst v5  }
0x1e0: {  	s17 =	sand.u32 $0x780, s26;
	s3 =	sor.u32 $0x30, s28;
	v5 =	vadd.s32 $0x4100, v3;
	[tilespmem:s15+$0x80] =	vst v7;
	v7 =	vld.idx.msk [tilespmem:v8+s13+$0x0], $0xffff  }
0x1e1: {  	s9 =	sor.u32 s3, s17;
	v10 =	vadd.s32 $0x4180, v1;
	v8 =	vld.idx.msk [tilespmem:v11+s13+$0x0], $0xffff  }
0x1e2: {  	s10 =	sor.u32 $0x10, s28;
	v16 =	vld [tilespmem:s9+$0x0];
	v11 =	vadd.s32 $0x4180, v0;
	[tilespmem:s16+$0x80] =	vst v2  }
0x1e3: {  	s18 =	sor.u32 s10, s17;
	v2 =	vld.idx.msk [tilespmem:v6+s13+$0x0], $0xffff  }
0x1e4: {  	v18 =	vld [tilespmem:s18+$0x0];
	v13 =	vadd.s32 $0x4180, v9;
	[tilespmem:s1+$0x80] =	vst v4  }
0x1e5: {  	v15 =	vadd.s32 $0x4180, v3;
	v17 =	vadd.s32 $0x4200, v1;
	v19 =	vadd.s32 $0x4200, v0;
	v5 =	vld.idx.msk [tilespmem:v5+s13+$0x0], $0xffff;
	[tilespmem:s14+$0x100] =	vst v7  }
0x1e6: {  	s7 =	sor.u32 $0x20, s28;
	v14 =	vadd.s32 $0x4200, v9;
	v6 =	vadd.s32 $0x4300, v9;
	v4 =	vshll.u32 v12, $0x3;
	[tilespmem:s15+$0x100] =	vst v8;
	v10 =	vld.idx.msk [tilespmem:v10+s13+$0x0], $0xffff  }
0x1e7: {  	s8 =	sor.u32 s7, s17;
	v4 =	vand.u32 $0xFFFFFC00, v4;
	v8 =	vadd.s32 $0x4280, v9;
	v7 =	vand.u32 $0x7F, v12;
	v11 =	vld.idx.msk [tilespmem:v11+s13+$0x0], $0xffff  }
0x1e8: {  	v12 =	vld [tilespmem:s8+$0x0];
	[tilespmem:s16+$0x100] =	vst v2;
	v2 =	vor.u32 v7, v4;
	v4 =	vadd.s32 $0x4380, v9;
	v9 =	vshll.u32 v16, $0x3  }
0x1e9: {  	v16 =	vand.u32 $0x7F, v16;
	v13 =	vld.idx.msk [tilespmem:v13+s13+$0x0], $0xffff;
	v21 =	vadd.s32 $0x4000, v2;
	v9 =	vand.u32 $0xFFFFFC00, v9  }
0x1ea: {  	p0 =	por $0x0, $0x0;
	s4 =	simm.s32 $0x1;
	v20 =	vadd.s32 $0x4200, v3;
	[tilespmem:s1+$0x100] =	vst v5;
	v9 =	vor.u32 v16, v9  }
0x1eb: {  	s4 =	simm.s32 @!p0 $0x0;
	v25 =	vadd.s32 $0x4280, v1;
	v31 =	vadd.s32 $0x4280, v0;
	v15 =	vld.idx.msk [tilespmem:v15+s13+$0x0], $0xffff;
	v29 =	vadd.s32 $0x4000, v9;
	[tilespmem:s14+$0x180] =	vst v10  }
0x1ec: {  	s20 =	sshll.u32 s4, $0x6;
	v7 =	vadd.s32 $0x4280, v3;
	v5 =	vadd.s32 $0x4300, v3;
	v3 =	vadd.s32 $0x4380, v3;
	[tilespmem:s15+$0x180] =	vst v11;
	v10 =	vld.idx.msk [tilespmem:v17+s13+$0x0], $0xffff  }
0x1ed: {  	v11 =	vshll.u32 v12, $0x3;
	s15 =	sadd.s32 $0x0, s20;
	v12 =	vand.u32 $0x7F, v12;
	v17 =	vshll.u32 v18, $0x3;
	v27 =	vld.idx.msk [tilespmem:v19+s13+$0x0], $0xffff  }
0x1ee: {  	s2 =	simm.s32 $0x4;
	s20 =	simm.s32 $0x80;
	v11 =	vand.u32 $0xFFFFFC00, v11;
	v18 =	vand.u32 $0x7F, v18;
	s0 =	sadd.s32 $0x30, s15;
	v16 =	vand.u32 $0xFFFFFC00, v17;
	v17 =	vld.idx.msk [tilespmem:v21+s13+$0x0], $0xffff;
	[tilespmem:s16+$0x180] =	vst v13  }
0x1ef: {  	s17 =	sadd.s32 $0x20, s15;
	v19 =	vadd.s32 $0x4080, v2;
	s25 =	sor.u32 $0x200, s15;
	s31 =	sor.u32 $0x280, s15;
	v12 =	vor.u32 v12, v11;
	v13 =	vor.u32 v18, v16;
	v23 =	vld.idx.msk [tilespmem:v14+s13+$0x0], $0xffff  }
0x1f0: {  	s30 =	sor.u32 $0x300, s15;
	s16 =	sadd.s32 $0x10, s15;
	s23 =	sor.u32 $0x200, s0;
	v26 =	vadd.s32 $0x4000, v12;
	v22 =	vadd.s32 $0x4080, v12;
	[tilespmem:s1+$0x180] =	vst v15;
	v28 =	vadd.s32 $0x4000, v13;
	v30 =	vld.idx.msk [tilespmem:v29+s13+$0x0], $0xffff  }
0x1f1: {  	s9 =	sor.u32 $0x200, s17;
	s11 =	sor.u32 $0x300, s17;
	s14 =	sor.u32 $0x200, s16;
	v16 =	vadd.s32 $0x4100, v12;
	v14 =	vadd.s32 $0x4180, v12;
	v11 =	vadd.s32 $0x4200, v12;
	v24 =	vld.idx.msk [tilespmem:v20+s13+$0x0], $0xffff;
	[tilespmem:s23+$0x14800] =	vst v10  }
0x1f2: {  	s4 =	sor.u32 $0x280, s17;
	s8 =	sor.u32 $0x280, s16;
	s29 =	sor.u32 $0x380, s16;
	v21 =	vadd.s32 $0x4080, v13;
	v18 =	vadd.s32 $0x4100, v13;
	v15 =	vadd.s32 $0x4180, v13;
	[tilespmem:s25+$0x14800] =	vst v27;
	v25 =	vld.idx.msk [tilespmem:v25+s13+$0x0], $0xffff  }
0x1f3: {  	s1 =	sor.u32 $0x300, s16;
	v29 =	vadd.s32 $0x4300, v1;
	v20 =	vadd.s32 $0x4280, v13;
	v10 =	vadd.s32 $0x4200, v13;
	s23 =	sor.u32 $0x380, s17;
	s25 =	sor.u32 $0x380, s15;
	v27 =	vld.idx.msk [tilespmem:v31+s13+$0x0], $0xffff  }
.LBB2_9:
0x1f4: {  	v31 =	vld [tilespmem:s20+$0x0];
	v32 =	vadd.s32 $0x4300, v13;
	v33 =	vadd.s32 $0x4280, v12;
	v34 =	vadd.s32 $0x4080, v9;
	s22 =	sadd.s32 $0x200, s22  }
0x1f5: {  	v13 =	vadd.s32 $0x4380, v13;
	v35 =	vadd.s32 $0x4300, v12;
	v12 =	vadd.s32 $0x4380, v12;
	s15 =	sand.u32 $0x3C00, s22;
	v28 =	vld.idx.msk [tilespmem:v28+s13+$0x0], $0xffff;
	[tilespmem:s14+$0x14800] =	vst v23  }
0x1f6: {  	s17 =	sadd.s32 $0x14800, s15;
	v23 =	vld.idx.msk [tilespmem:v26+s13+$0x0], $0xffff;
	[tilespmem:s9+$0x14800] =	vst v24;
	s9 =	sor.u32 $0x280, s0  }
0x1f7: {  	s14 =	sor.u32 s28, s17;
	s15 =	sor.u32 s10, s17;
	s16 =	sor.u32 s3, s17;
	v24 =	vld.idx.msk [tilespmem:v8+s13+$0x0], $0xffff;
	[tilespmem:s9+$0x14800] =	vst v25;
	v8 =	vmov v20  }
0x1f8: {  	s9 =	sor.u32 s7, s17;
	[tilespmem:s16+$0x0] =	vst v30;
	v20 =	vld.idx.msk [tilespmem:v29+s13+$0x0], $0xffff  }
0x1f9: {  	[tilespmem:s14+$0x0] =	vst v17;
	v17 =	vld.idx.msk [tilespmem:v34+s13+$0x0], $0xffff  }
0x1fa: {  	v25 =	vadd.s32 $0x4380, v1;
	v1 =	vmov v9;
	v19 =	vld.idx.msk [tilespmem:v19+s13+$0x0], $0xffff;
	[tilespmem:s31+$0x14800] =	vst v27  }
0x1fb: {  	v9 =	vadd.s32 $0x4100, v1;
	[tilespmem:s15+$0x0] =	vst v28;
	v26 =	vld.idx.msk [tilespmem:v7+s13+$0x0], $0xffff;
	v7 =	vmov v33  }
0x1fc: {  	v27 =	vadd.s32 $0x4100, v2;
	v21 =	vld.idx.msk [tilespmem:v21+s13+$0x0], $0xffff;
	[tilespmem:s9+$0x0] =	vst v23  }
0x1fd: {  	s3 =	sor.u32 $0x300, s0;
	v22 =	vld.idx.msk [tilespmem:v22+s13+$0x0], $0xffff;
	[tilespmem:s8+$0x14800] =	vst v24  }
0x1fe: {  	v23 =	vld.idx.msk [tilespmem:v6+s13+$0x0], $0xffff;
	[tilespmem:s3+$0x14800] =	vst v20;
	v6 =	vmov v32  }
0x1ff: {  	[tilespmem:s16+$0x80] =	vst v17;
	v17 =	vld.idx.msk [tilespmem:v25+s13+$0x0], $0xffff  }
0x200: {  	[tilespmem:s14+$0x80] =	vst v19;
	v9 =	vld.idx.msk [tilespmem:v9+s13+$0x0], $0xffff;
	v19 =	vadd.s32 $0x4300, v0  }
0x201: {  	v20 =	vld.idx.msk [tilespmem:v27+s13+$0x0], $0xffff;
	[tilespmem:s4+$0x14800] =	vst v26  }
0x202: {  	[tilespmem:s15+$0x80] =	vst v21;
	v21 =	vadd.s32 $0x4180, v1;
	v24 =	vld.idx.msk [tilespmem:v5+s13+$0x0], $0xffff;
	v5 =	vmov v35  }
0x203: {  	v25 =	vadd.s32 $0x4180, v2;
	v18 =	vld.idx.msk [tilespmem:v18+s13+$0x0], $0xffff;
	[tilespmem:s9+$0x80] =	vst v22  }
0x204: {  	s0 =	sor.u32 $0x380, s0;
	v16 =	vld.idx.msk [tilespmem:v16+s13+$0x0], $0xffff;
	[tilespmem:s1+$0x14800] =	vst v23  }
0x205: {  	s26 =	sadd.s32 $0x40, s26;
	v19 =	vld.idx.msk [tilespmem:v19+s13+$0x0], $0xffff;
	[tilespmem:s0+$0x14800] =	vst v17  }
0x206: {  	s2 =	sadd.s32 $0x4, s2;
	s28 =	sand.u32 $0x40, s26;
	[tilespmem:s16+$0x100] =	vst v9;
	v9 =	vld.idx.msk [tilespmem:v4+s13+$0x0], $0xffff;
	v4 =	vmov v13  }
0x207: {  	p1 =	slt.u32 s2, $0x7C;
	s3 =	sor.u32 $0x30, s28;
	s0 =	sand.u32 $0x780, s26;
	[tilespmem:s14+$0x100] =	vst v20;
	v13 =	vld.idx.msk [tilespmem:v21+s13+$0x0], $0xffff  }
0x208: {  	s10 =	sor.u32 $0x10, s28;
	s7 =	sor.u32 $0x20, s28;
	s1 =	sor.u32 s3, s0;
	v17 =	vld.idx.msk [tilespmem:v25+s13+$0x0], $0xffff;
	[tilespmem:s11+$0x14800] =	vst v24  }
0x209: {  	s4 =	sor.u32 s10, s0;
	s0 =	sor.u32 s7, s0;
	v20 =	vld [tilespmem:s1+$0x0];
	[tilespmem:s15+$0x100] =	vst v18;
	v18 =	vadd.s32 $0x4200, v1  }
0x20a: {  	v23 =	vadd.s32 $0x4200, v2;
	v21 =	vshll.u32 v31, $0x3;
	v22 =	vld [tilespmem:s4+$0x0];
	[tilespmem:s9+$0x100] =	vst v16  }
0x20b: {  	v21 =	vand.u32 $0xFFFFFC00, v21;
	v16 =	vand.u32 $0x7F, v31;
	v24 =	vld [tilespmem:s0+$0x0];
	[tilespmem:s30+$0x14800] =	vst v19  }
0x20c: {  	v19 =	vadd.s32 $0x4380, v0;
	v0 =	vmov v2;
	v2 =	vor.u32 v16, v21;
	v15 =	vld.idx.msk [tilespmem:v15+s13+$0x0], $0xffff;
	[tilespmem:s29+$0x14800] =	vst v9  }
0x20d: {  	p0 =	por !p0, !p0;
	s0 =	simm.s32 $0x1;
	v16 =	vadd.s32 $0x4000, v2;
	v14 =	vld.idx.msk [tilespmem:v14+s13+$0x0], $0xffff;
	[tilespmem:s16+$0x180] =	vst v13  }
0x20e: {  	s0 =	simm.s32 @!p0 $0x0;
	v9 =	vshll.u32 v20, $0x3;
	[tilespmem:s14+$0x180] =	vst v17;
	v18 =	vld.idx.msk [tilespmem:v18+s13+$0x0], $0xffff  }
0x20f: {  	s0 =	sshll.u32 s0, $0x6;
	v17 =	vand.u32 $0x7F, v20;
	v13 =	vshll.u32 v22, $0x3;
	v9 =	vand.u32 $0xFFFFFC00, v9;
	v20 =	vld.idx.msk [tilespmem:v23+s13+$0x0], $0xffff  }
0x210: {  	v25 =	vadd.s32 $0x4280, v1;
	s16 =	sadd.s32 s0, s22;
	v21 =	vshll.u32 v24, $0x3;
	v9 =	vor.u32 v17, v9;
	v27 =	vld.idx.msk [tilespmem:v3+s13+$0x0], $0xffff;
	v3 =	vmovc v12  }
0x211: {  	s0 =	sadd.s32 $0x30, s16;
	v12 =	vand.u32 $0xFFFFFC00, v13;
	v21 =	vand.u32 $0xFFFFFC00, v21;
	v29 =	vadd.s32 $0x4000, v9;
	v31 =	vld.idx.msk [tilespmem:v19+s13+$0x0], $0xffff  }
0x212: {  	v32 =	vadd.s32 $0x4280, v0;
	s17 =	sadd.s32 $0x20, s16;
	v13 =	vand.u32 $0x7F, v22;
	s1 =	sor.u32 $0x200, s0;
	v17 =	vld.idx.msk [tilespmem:v16+s13+$0x0], $0xffff;
	v16 =	vand.u32 $0x7F, v24;
	[tilespmem:s15+$0x180] =	vst v15;
	s15 =	sadd.s32 $0x10, s16  }
.Ltmp3:
0x213: {  	v19 =	vadd.s32 $0x4080, v2;
	v13 =	vor.u32 v13, v12;
	v12 =	vor.u32 v16, v21;
	v23 =	vld.idx.msk [tilespmem:v10+s13+$0x0], $0xffff;
	s14 =	sor.u32 $0x200, s15;
	[tilespmem:s9+$0x180] =	vst v14;
	s9 =	sor.u32 $0x200, s17;
	(pc) =	sbr.rel @p1 .LBB2_9-.Ltmp3, $4  }
0x214: {  	s11 =	sor.u32 $0x200, s16;
	s4 =	sor.u32 $0x280, s17;
	v28 =	vadd.s32 $0x4000, v13;
	v21 =	vadd.s32 $0x4080, v13;
	s8 =	sor.u32 $0x280, s15;
	v26 =	vadd.s32 $0x4000, v12;
	v24 =	vld.idx.msk [tilespmem:v11+s13+$0x0], $0xffff;
	[tilespmem:s1+$0x14800] =	vst v18  }
0x215: {  	s31 =	sor.u32 $0x280, s16;
	v18 =	vadd.s32 $0x4100, v13;
	v22 =	vadd.s32 $0x4080, v12;
	v16 =	vadd.s32 $0x4100, v12;
	s1 =	sor.u32 $0x300, s15;
	[tilespmem:s11+$0x14800] =	vst v20;
	s11 =	sor.u32 $0x300, s17;
	v25 =	vld.idx.msk [tilespmem:v25+s13+$0x0], $0xffff  }
0x216: {  	s30 =	sor.u32 $0x300, s16;
	v15 =	vadd.s32 $0x4180, v13;
	v10 =	vadd.s32 $0x4200, v13;
	s29 =	sor.u32 $0x380, s15;
	v14 =	vadd.s32 $0x4180, v12;
	v30 =	vld.idx.msk [tilespmem:v29+s13+$0x0], $0xffff;
	[tilespmem:s23+$0x14800] =	vst v27;
	s23 =	sor.u32 $0x380, s17  }
0x217: {  	s20 =	sadd.s32 $0x40, s20;
	v11 =	vadd.s32 $0x4200, v12;
	v20 =	vadd.s32 $0x4280, v13;
	v29 =	vadd.s32 $0x4300, v1;
	v27 =	vld.idx.msk [tilespmem:v32+s13+$0x0], $0xffff;
	[tilespmem:s25+$0x14800] =	vst v31;
	s25 =	sor.u32 $0x380, s16  }
0x218: {  	_ =	sdelay $0x2  }
0x219: {  	v31 =	vadd.s32 $0x4080, v9;
	s2 =	sadd.s32 $0x200, s22  }
0x21a: {  	v28 =	vld.idx.msk [tilespmem:v28+s13+$0x0], $0xffff;
	s15 =	sand.u32 $0x3C00, s2  }
0x21b: {  	v26 =	vld.idx.msk [tilespmem:v26+s13+$0x0], $0xffff;
	s15 =	sadd.s32 $0x14800, s15  }
0x21c: {  	s3 =	sor.u32 s3, s15  }
0x21d: {  	s10 =	sor.u32 s10, s15;
	s7 =	sor.u32 s7, s15;
	s15 =	sor.u32 s28, s15;
	[tilespmem:s3+$0x0] =	vst v30  }
0x21e: {  	[tilespmem:s15+$0x0] =	vst v17;
	v30 =	vld.idx.msk [tilespmem:v31+s13+$0x0], $0xffff  }
0x21f: {  	v63 =	vadd.s32 $0x4100, v9;
	[tilespmem:s10+$0x0] =	vst v28;
	v19 =	vld.idx.msk [tilespmem:v19+s13+$0x0], $0xffff  }
0x220: {  	[tilespmem:s7+$0x0] =	vst v26;
	v31 =	vadd.s32 $0x4100, v2;
	v21 =	vld.idx.msk [tilespmem:v21+s13+$0x0], $0xffff  }
0x221: {  	[tilespmem:s14+$0x14800] =	vst v23;
	v26 =	vld.idx.msk [tilespmem:v22+s13+$0x0], $0xffff  }
0x222: {  	[tilespmem:s9+$0x14800] =	vst v24  }
0x223: {  	[tilespmem:s3+$0x80] =	vst v30  }
0x224: {  	[tilespmem:s15+$0x80] =	vst v19;
	v32 =	vld.idx.msk [tilespmem:v63+s13+$0x0], $0xffff  }
0x225: {  	v33 =	vadd.s32 $0x4180, v9;
	[tilespmem:s10+$0x80] =	vst v21;
	v34 =	vld.idx.msk [tilespmem:v31+s13+$0x0], $0xffff  }
0x226: {  	s20 =	sor.u32 $0x280, s0;
	v35 =	vadd.s32 $0x4180, v2;
	[tilespmem:s7+$0x80] =	vst v26;
	v18 =	vld.idx.msk [tilespmem:v18+s13+$0x0], $0xffff  }
0x227: {  	[tilespmem:s20+$0x14800] =	vst v25;
	v16 =	vld.idx.msk [tilespmem:v16+s13+$0x0], $0xffff  }
0x228: {  	v8 =	vld.idx.msk [tilespmem:v8+s13+$0x0], $0xffff;
	[tilespmem:s31+$0x14800] =	vst v27  }
0x229: {  	v7 =	vld.idx.msk [tilespmem:v7+s13+$0x0], $0xffff;
	[tilespmem:s3+$0x100] =	vst v32  }
0x22a: {  	[tilespmem:s15+$0x100] =	vst v34;
	v21 =	vld.idx.msk [tilespmem:v33+s13+$0x0], $0xffff  }
0x22b: {  	v37 =	vadd.s32 $0x4200, v9;
	[tilespmem:s10+$0x100] =	vst v18;
	v38 =	vld.idx.msk [tilespmem:v35+s13+$0x0], $0xffff  }
0x22c: {  	v39 =	vadd.s32 $0x4200, v2;
	[tilespmem:s7+$0x100] =	vst v16;
	v15 =	vld.idx.msk [tilespmem:v15+s13+$0x0], $0xffff  }
0x22d: {  	[tilespmem:s8+$0x14800] =	vst v8;
	v14 =	vld.idx.msk [tilespmem:v14+s13+$0x0], $0xffff  }
0x22e: {  	v36 =	vld.idx.msk [tilespmem:v29+s13+$0x0], $0xffff;
	[tilespmem:s4+$0x14800] =	vst v7  }
0x22f: {  	p0 =	por !p0, !p0;
	v46 =	vadd.s32 $0x4300, v0;
	v6 =	vld.idx.msk [tilespmem:v6+s13+$0x0], $0xffff;
	[tilespmem:s3+$0x180] =	vst v21;
	s3 =	simm.s32 $0x1  }
0x230: {  	[tilespmem:s15+$0x180] =	vst v38;
	v40 =	vld.idx.msk [tilespmem:v37+s13+$0x0], $0xffff;
	s3 =	simm.s32 @!p0 $0x0  }
0x231: {  	v41 =	vadd.s32 $0x4280, v9;
	[tilespmem:s10+$0x180] =	vst v15;
	v44 =	vld.idx.msk [tilespmem:v39+s13+$0x0], $0xffff;
	s3 =	sshll.u32 s3, $0x6  }
0x232: {  	s22 =	sor.u32 $0x300, s0;
	v45 =	vadd.s32 $0x4280, v2;
	[tilespmem:s7+$0x180] =	vst v14;
	v10 =	vld.idx.msk [tilespmem:v10+s13+$0x0], $0xffff;
	s2 =	sadd.s32 s3, s2  }
0x233: {  	[tilespmem:s22+$0x14800] =	vst v36;
	v42 =	vld.idx.msk [tilespmem:v11+s13+$0x0], $0xffff;
	s3 =	sadd.s32 $0x30, s2  }
0x234: {  	v43 =	vadd.s32 $0x4280, v12;
	v53 =	vld.idx.msk [tilespmem:v46+s13+$0x0], $0xffff;
	[tilespmem:s1+$0x14800] =	vst v6;
	s26 =	sor.u32 $0x200, s3  }
0x235: {  	v55 =	vadd.s32 $0x4380, v0;
	v5 =	vld.idx.msk [tilespmem:v5+s13+$0x0], $0xffff;
	s1 =	sadd.s32 $0x10, s2;
	s9 =	sor.u32 $0x200, s2;
	[tilespmem:s26+$0x14800] =	vst v40  }
0x236: {  	s7 =	sadd.s32 $0x20, s2;
	s28 =	sor.u32 $0x200, s1;
	[tilespmem:s9+$0x14800] =	vst v44;
	v15 =	vld.idx.msk [tilespmem:v41+s13+$0x0], $0xffff  }
0x237: {  	v47 =	vadd.s32 $0x4300, v9;
	s31 =	sor.u32 $0x200, s7;
	[tilespmem:s28+$0x14800] =	vst v10;
	v52 =	vld.idx.msk [tilespmem:v45+s13+$0x0], $0xffff  }
0x238: {  	v54 =	vadd.s32 $0x4300, v2;
	[tilespmem:s31+$0x14800] =	vst v42;
	v48 =	vld.idx.msk [tilespmem:v20+s13+$0x0], $0xffff  }
0x239: {  	v49 =	vadd.s32 $0x4300, v13;
	[tilespmem:s30+$0x14800] =	vst v53;
	v50 =	vld.idx.msk [tilespmem:v43+s13+$0x0], $0xffff  }
0x23a: {  	v51 =	vadd.s32 $0x4300, v12;
	v0 =	vld.idx.msk [tilespmem:v55+s13+$0x0], $0xffff;
	[tilespmem:s11+$0x14800] =	vst v5;
	s11 =	sor.u32 $0x280, s3  }
0x23b: {  	v1 =	vadd.s32 $0x4380, v1;
	v4 =	vld.idx.msk [tilespmem:v4+s13+$0x0], $0xffff;
	s16 =	sor.u32 $0x280, s2;
	[tilespmem:s11+$0x14800] =	vst v15  }
0x23c: {  	s14 =	sor.u32 $0x280, s1;
	[tilespmem:s16+$0x14800] =	vst v52;
	v10 =	vld.idx.msk [tilespmem:v47+s13+$0x0], $0xffff  }
0x23d: {  	v56 =	vadd.s32 $0x4380, v9;
	s15 =	sor.u32 $0x280, s7;
	[tilespmem:s14+$0x14800] =	vst v48;
	v5 =	vld.idx.msk [tilespmem:v54+s13+$0x0], $0xffff  }
0x23e: {  	v61 =	vadd.s32 $0x4380, v2;
	[tilespmem:s15+$0x14800] =	vst v50;
	v57 =	vld.idx.msk [tilespmem:v49+s13+$0x0], $0xffff  }
0x23f: {  	v58 =	vadd.s32 $0x4380, v13;
	[tilespmem:s25+$0x14800] =	vst v0;
	v59 =	vld.idx.msk [tilespmem:v51+s13+$0x0], $0xffff  }
0x240: {  	v60 =	vadd.s32 $0x4380, v12;
	v1 =	vld.idx.msk [tilespmem:v1+s13+$0x0], $0xffff;
	[tilespmem:s29+$0x14800] =	vst v4;
	s17 =	sor.u32 $0x300, s3  }
0x241: {  	v3 =	vld.idx.msk [tilespmem:v3+s13+$0x0], $0xffff;
	s22 =	sor.u32 $0x300, s2;
	[tilespmem:s17+$0x14800] =	vst v10  }
0x242: {  	s18 =	sor.u32 $0x300, s1;
	[tilespmem:s22+$0x14800] =	vst v5;
	v62 =	vld.idx.msk [tilespmem:v56+s13+$0x0], $0xffff  }
0x243: {  	s20 =	sor.u32 $0x300, s7;
	[tilespmem:s18+$0x14800] =	vst v57;
	v2 =	vld.idx.msk [tilespmem:v61+s13+$0x0], $0xffff  }
0x244: {  	s10 =	sor.u32 $0x380, s0;
	[tilespmem:s20+$0x14800] =	vst v59;
	v63 =	vld.idx.msk [tilespmem:v58+s13+$0x0], $0xffff  }
0x245: {  	s21 =	sadd.s32 $0x1, s21;
	[tilespmem:s10+$0x14800] =	vst v1;
	v1 =	vld.idx.msk [tilespmem:v60+s13+$0x0], $0xffff  }
0x246: {  	[tilespmem:s23+$0x14800] =	vst v3;
	p0 =	sne.s32 s21, $0x8;
	s26 =	sor.u32 $0x380, s3  }
.Ltmp4:
0x247: {  	s29 =	sor.u32 $0x380, s2;
	[tilespmem:s26+$0x14800] =	vst v62;
	(pc) =	sbr.rel @p0 .LBB2_2-.Ltmp4, $4  }
0x248: {  	s1 =	sor.u32 $0x380, s1;
	[tilespmem:s29+$0x14800] =	vst v2  }
0x249: {  	s28 =	sor.u32 $0x380, s7;
	[tilespmem:s1+$0x14800] =	vst v63  }
0x24a: {  	s30 =	sadd.s32 $0x1800, s24;
	s31 =	simm.s32 $0x14800;
	[tilespmem:s28+$0x14800] =	vst v1  }
0x24b: {  	[hbm4b:s30+s5] =	stream.linear.scatter [tilespmem:s31], [sflag:$0x4], $0x4000, $0x38;
	[tilespmem:$0x18800] =	vst v63  }
0x24c: {  	s0 =	simm.s32 $0x3  }
0x24d: {  	_ =	swait.ge [sflag:s0], $0x4000  }
0x24e: {  	[sflag:s0] =	ssyncset.done $0x0  }
0x24f: {  	[sflag:s0] =	ssyncadd.s32 $0xFFFFC000  }
0x250: {  	_ =	swait.ge [sflag:s19], $0x4000  }
0x251: {  	s1 =	rddreg [dreg:$0x8]  }
0x252: {  	s31 =	rddreg [dreg:$0x7];
	s1 =	sadd.s32 $0x1, s1  }
0x253: {  	p0 =	sne.s32 s1, s31  }
.Ltmp5:
0x254: {  	_ = 	snop;
	(pc) =	sbr.rel @p0 .LBB2_1-.Ltmp5, $3  }
0x255: {  	_ =	sdelay $0x1  }
0x256: {  	[sflag:s19] =	ssyncset.done $0x0  }
0x257: {  	[sflag:s19] =	ssyncadd.s32 $0xFFFFC000  }
0x258: {  	_ =	sfence.sel $0x180000  }
0x259: {  	[bflag:$0x0] =	sbarrier.arrive $0xFFFF  }
0x25a: {  	_ =	strace $0x90000047  }
0x25b: {  	s0 =	stileid.u32;
	[bflag:$0x2] =	sbarrier.arrive $0xFFFF  }
0x25c: {  	p0 =	sne.s32 s0, $0x0;
	s0 =	rddreg [dreg:$0x3]  }
0x25d: {  	s0 =	sadd.s32 @!p0 $0x100000, s0  }
0x25e: {  	[sflag:s0] =	ssyncadd.tile.s32 @!p0 $0x1;
	_ =	shalt  }
.Lfunc_end2:
_tile_overlayer_lowered:
.L_overlay_start_2:
0x25f: {  	(tag) =	ssettag $0x2  }
0x260: {  	s0 =	rddreg [dreg:$0x0];
	s2 =	stileid.u32  }
0x261: {  	s1 =	rddreg [dreg:$0x1];
	p0 =	sne.s32 s2, $0x0  }
0x262: {  	s3 =	rddreg [dreg:$0x2];
	[bflag:$0x3] =	sbarrier.arrive $0xFFFF;
	s2 =	simm.s32 @!p0 $0x1C05  }
0x263: {  	[timem:s3], [sflag:s2] =	dma.local @!p0 [hbm:s0], s1  }
0x264: {  	s0 =	simm.s32 @!p0 $0x5  }
0x265: {  	_ =	swait.ge @!p0 [sflag:s0], s1  }
0x266: {  	s1 =	ssub.s32 @!p0 $0x0, s1;
	[sflag:s0] =	ssyncset.done @!p0 $0x0  }
0x267: {  	[sflag:s0] =	ssyncadd.s32 @!p0 s1  }
0x268: {  	[bflag:$0x3] =	sbarrier.arrive $0xFFFF  }
0x269: {  	_ =	shalt  }

</sc_bundles>
